<compile_context>
chip_gen: v7x
topology: tpu7x:2x2x1
jax: 0.10.2.dev20260603
libtpu: 0.0.44.dev20260713+nightly
codegen_flags: <defaults>
</compile_context>

<pallas_src>
import functools

import jax
import jax.numpy as jnp
from jax import lax
from jax.experimental import pallas as pl
from jax.experimental.pallas import tpu as pltpu
from jax.experimental.pallas import tpu_sc as plsc

KTOP = 128
BATCH = 1024
IN_DIM = 128
VOCAB = 100000
TV = 2048
NW = 32
ROWS_PER_W = BATCH // NW
HIST_BITS = 10
HIST_B = 1 << HIST_BITS
CAND_CAP = 8192
NVREG_ROW = VOCAB // 16
UNROLL = 10
TAIL_BITS = 32 - HIST_BITS


def _mono_u32(x):
  b = lax.bitcast_convert_type(x, jnp.uint32)
  neg = b >= jnp.uint32(0x80000000)
  return jnp.where(neg, b ^ jnp.uint32(0xFFFFFFFF), b ^ jnp.uint32(0x80000000))


def _unmono_f32(k):
  neg = k < jnp.uint32(0x80000000)
  b = jnp.where(neg, k ^ jnp.uint32(0xFFFFFFFF), k ^ jnp.uint32(0x80000000))
  return lax.bitcast_convert_type(b, jnp.float32)


def _dot(x, w):
  return lax.dot_general(
      x, w, (((1,), (1,)), ((), ())),
      preferred_element_type=jnp.float32,
      precision=lax.Precision.DEFAULT)


def _k1_body(x_ref, w_ref, o_ref):
  o_ref[...] = _dot(x_ref[...], w_ref[...])


def _k1_logits(inp, w):
  grid = pl.cdiv(VOCAB, TV)
  return pl.pallas_call(
      _k1_body,
      grid=(grid,),
      in_specs=[
          pl.BlockSpec((BATCH, IN_DIM), lambda j: (0, 0)),
          pl.BlockSpec((TV, IN_DIM), lambda j: (j, 0)),
      ],
      out_specs=pl.BlockSpec((BATCH, TV), lambda j: (0, j)),
      out_shape=jax.ShapeDtypeStruct((BATCH, VOCAB), jnp.float32),
  )(inp, w)


def _sc_body(logits_hbm, tgt_hbm, tau_hbm, z_hbm, m_hbm,
             row_v, hist_v, cand_v, tgt_v, tau_s, z_s, m_s):
  lane = lax.iota(jnp.int32, 16)
  lane_bank = lane * HIST_B
  ones16 = jnp.ones((16,), jnp.int32)
  zeros16 = jnp.zeros((16,), jnp.int32)

  wid = lax.axis_index("c") * 16 + lax.axis_index("s")
  base = wid * ROWS_PER_W
  pltpu.sync_copy(tgt_hbm.at[pl.ds(base, ROWS_PER_W)], tgt_v)

  def row_loop(r, _):
    row = base + r
    pltpu.sync_copy(logits_hbm.at[row], row_v)

    def zloop(i, c):
      for u in range(8):
        hist_v[pl.ds(i * 128 + u * 16, 16)] = zeros16
      return c
    lax.fori_loop(0, HIST_B * 16 // 128, zloop, 0)

    def p1(i, m_acc):
      for u in range(UNROLL):
        v = row_v[pl.ds((i * UNROLL + u) * 16, 16)]
        key = _mono_u32(v)
        d = lax.shift_right_logical(key, jnp.uint32(32 - HIST_BITS))
        addr = d.astype(jnp.int32) + lane_bank
        plsc.addupdate_scatter(hist_v, [addr], ones16)
        m_acc = jnp.maximum(m_acc, v)
      return m_acc
    m_acc = lax.fori_loop(0, NVREG_ROW // UNROLL, p1,
                          jnp.full((16,), -jnp.inf, jnp.float32))
    m_scal = jnp.max(m_acc)

    def scan_blk(i, carry):
      s_above, bstar = carry
      b0 = HIST_B - 16 * (i + 1)
      tot = zeros16
      for l in range(16):
        tot = tot + hist_v[pl.ds(l * HIST_B + b0, 16)]
      pre = plsc.cumsum(tot)
      blocktot = jnp.max(pre)
      f_gt = s_above + (blocktot - pre)
      f_ge = f_gt + tot
      found = jnp.logical_and(f_gt < KTOP, f_ge >= KTOP)
      cand_b = jnp.max(jnp.where(found, b0 + lane, -1))
      bstar = jnp.maximum(bstar, cand_b)
      return s_above + blocktot, bstar
    _, bstar = lax.fori_loop(0, HIST_B // 16, scan_blk,
                             (jnp.int32(0), jnp.int32(-1)))

    bound = lax.shift_left(bstar.astype(jnp.uint32),
                           jnp.uint32(32 - HIST_BITS))
    def p2(i, off):
      for u in range(UNROLL):
        v = row_v[pl.ds((i * UNROLL + u) * 16, 16)]
        key = _mono_u32(v)
        msel = key >= bound
        m01 = jnp.where(msel, ones16, zeros16)
        pos = plsc.cumsum(m01)
        addr = jnp.minimum(off + pos - 1, CAND_CAP - 1)
        plsc.store_scatter(cand_v, [addr], plsc.bitcast(key, jnp.int32),
                           mask=msel)
        off = off + plsc.all_reduce_population_count(msel)
      return off
    off = lax.fori_loop(0, NVREG_ROW // UNROLL, p2, zeros16)
    c_cand = jnp.minimum(jnp.max(off), CAND_CAP)
    nv = (c_cand + 15) // 16

    def bitloop(kk, p):
      bit = lax.shift_left(jnp.uint32(1), (TAIL_BITS - 1 - kk).astype(jnp.uint32))
      pp = p | bit
      def cnt(i, acc):
        kv = plsc.bitcast(cand_v[pl.ds(i * 16, 16)], jnp.uint32)
        valid = (i * 16 + lane) < c_cand
        ok = jnp.logical_and(valid, kv >= pp)
        return acc + jnp.where(ok, ones16, zeros16)
      acc = lax.fori_loop(0, nv, cnt, zeros16)
      return jnp.where(jnp.sum(acc) >= KTOP, pp, p)
    tau = lax.fori_loop(0, TAIL_BITS, bitloop, bound)

    def zsum(i, acc):
      kv = plsc.bitcast(cand_v[pl.ds(i * 16, 16)], jnp.uint32)
      valid = (i * 16 + lane) < c_cand
      ok = jnp.logical_and(valid, kv >= tau)
      val = _unmono_f32(kv)
      e = jnp.exp(val - m_scal)
      return acc + jnp.where(ok, e, jnp.zeros((16,), jnp.float32))
    zacc = lax.fori_loop(0, nv, zsum, jnp.zeros((16,), jnp.float32))
    z = jnp.sum(zacc)

    rb = lax.shift_left(lax.shift_right_logical(r, 4), 4)
    tvec = tgt_v[pl.ds(rb, 16)]
    t = jnp.max(jnp.where(lane == (r - rb), tvec, -1))
    tb = lax.shift_left(lax.shift_right_logical(t, 4), 4)
    lv = t - tb
    vt = row_v[pl.ds(tb, 16)]
    kt = _mono_u32(vt)
    sel_t = jnp.logical_and(lane == lv, kt < tau)
    z = z + jnp.sum(jnp.where(sel_t, jnp.exp(vt - m_scal),
                              jnp.zeros((16,), jnp.float32)))

    lane0 = lane == 0
    r16 = jnp.full((16,), 0, jnp.int32) + r
    plsc.store_scatter(tau_s, [r16],
                       plsc.bitcast(jnp.full((16,), 0, jnp.uint32) + tau,
                                    jnp.int32), mask=lane0)
    plsc.store_scatter(z_s, [r16], jnp.full((16,), 0.0, jnp.float32) + z,
                       mask=lane0)
    plsc.store_scatter(m_s, [r16], jnp.full((16,), 0.0, jnp.float32) + m_scal,
                       mask=lane0)
    return 0

  lax.fori_loop(0, ROWS_PER_W, row_loop, 0)

  pltpu.sync_copy(tau_s, tau_hbm.at[pl.ds(base, ROWS_PER_W)])
  pltpu.sync_copy(z_s, z_hbm.at[pl.ds(base, ROWS_PER_W)])
  pltpu.sync_copy(m_s, m_hbm.at[pl.ds(base, ROWS_PER_W)])


def _k2_select(logits, target):
  mesh = plsc.VectorSubcoreMesh(core_axis_name="c", subcore_axis_name="s")
  kern = functools.partial(
      pl.kernel,
      out_type=(
          jax.ShapeDtypeStruct((BATCH,), jnp.int32),
          jax.ShapeDtypeStruct((BATCH,), jnp.float32),
          jax.ShapeDtypeStruct((BATCH,), jnp.float32),
      ),
      mesh=mesh,
      compiler_params=pltpu.CompilerParams(needs_layout_passes=False),
      scratch_types=[
          pltpu.VMEM((VOCAB,), jnp.float32),
          pltpu.VMEM((HIST_B * 16,), jnp.int32),
          pltpu.VMEM((CAND_CAP,), jnp.int32),
          pltpu.VMEM((ROWS_PER_W,), jnp.int32),
          pltpu.VMEM((ROWS_PER_W,), jnp.int32),
          pltpu.VMEM((ROWS_PER_W,), jnp.float32),
          pltpu.VMEM((ROWS_PER_W,), jnp.float32),
      ],
  )(_sc_body)
  return kern(logits, target)


def _k3_body(x_ref, w_ref, tau_ref, z_ref, m_ref, tgt_ref, o_ref):
  j = pl.program_id(0)
  logits = _dot(x_ref[...], w_ref[...])
  key = _mono_u32(logits)
  tau = lax.bitcast_convert_type(tau_ref[...], jnp.uint32)
  cols = lax.broadcasted_iota(jnp.int32, (BATCH, TV), 1) + j * TV
  sel = jnp.logical_or(key >= tau, cols == tgt_ref[...])
  zinv = 1.0 / z_ref[...]
  vals = jnp.exp(logits - m_ref[...]) * zinv
  o_ref[...] = jnp.where(sel, vals, jnp.float32(0.0))


def _k3_output(inp, w, tau, z, m, target):
  grid = pl.cdiv(VOCAB, TV)
  col_spec = pl.BlockSpec((BATCH, 1), lambda j: (0, 0))
  return pl.pallas_call(
      _k3_body,
      grid=(grid,),
      in_specs=[
          pl.BlockSpec((BATCH, IN_DIM), lambda j: (0, 0)),
          pl.BlockSpec((TV, IN_DIM), lambda j: (j, 0)),
          col_spec, col_spec, col_spec, col_spec,
      ],
      out_specs=pl.BlockSpec((BATCH, TV), lambda j: (0, j)),
      out_shape=jax.ShapeDtypeStruct((BATCH, VOCAB), jnp.float32),
  )(inp, w, tau.reshape(BATCH, 1), z.reshape(BATCH, 1),
    m.reshape(BATCH, 1), target.reshape(BATCH, 1))


@jax.jit
def kernel(input, target, W):
  logits = _k1_logits(input, W)
  tau, z, m = _k2_select(logits, target)
  return _k3_output(input, W, tau, z, m, target)

# --- scband reference (transcript-rebuilt; emitter-appended) ---
"""Pipeline reference for scband-top-ksoftmax-14267881357588 (READ-ONLY COPY).

The authoritative reference and input builder live on the scoring server;
editing this copy changes nothing except your own understanding.
"""

import jax, jax.numpy as jnp
import numpy as np

K = 128
BATCH = 1024
IN_DIM = 128
OUT_DIM = 100000


def setup_inputs(seed: int = 0) -> dict:
    key = jax.random.key(seed)
    k1, k2, k3 = jax.random.split(key, 3)
    inp = jax.random.normal(k1, (BATCH, IN_DIM), dtype=jnp.float32)
    target = jax.random.randint(k2, (BATCH,), 0, OUT_DIM, dtype=jnp.int32)
    # learned parameter: projection weight [out_dim, in_dim] (nn.Linear layout)
    W = jax.random.normal(k3, (OUT_DIM, IN_DIM), dtype=jnp.float32) * 0.02
    return {"input": inp, "target": target, "W": W}


def reference(input, target, W):
    # x = self.fc(input)  -> Linear without bias: input @ W.T
    x = input @ W.T
    # D, I = torch.topk(x, self.k)
    D, I = jax.lax.top_k(x, K)
    # I = torch.cat([I, target.reshape(-1, 1)], dim=1)
    I = jnp.concatenate([I, target.reshape(-1, 1).astype(I.dtype)], axis=1)
    # mask = torch.ones_like(x) * float('-inf'); mask.scatter_(1, I, 0.0)
    mask = jnp.full(x.shape, -jnp.inf, dtype=x.dtype)
    rows = jnp.arange(x.shape[0])[:, None]
    mask = mask.at[rows, I].set(0.0)
    # x = x + mask; x = F.softmax(x, dim=-1)
    x = x + mask
    out = jax.nn.softmax(x, axis=-1)
    return out

if __name__ == "__main__":
    import jax
    _d = setup_inputs()
    print(jax.jit(kernel)(*tuple(_d.values())))

</pallas_src>

<mosaic_0001>
#map = affine_map<(d0, d1) -> (0, 0)>
#map1 = affine_map<(d0, d1) -> (0)>
module attributes {stable_mosaic.version = 14 : i64} {
  func.func @_sc_body(%arg0: i32, %arg1: i32, %arg2: memref<1024x100000xf32, #tpu.memory_space<hbm>>, %arg3: memref<1024xi32, #tpu.memory_space<hbm>>, %arg4: memref<1024xi32, #tpu.memory_space<hbm>>, %arg5: memref<1024xf32, #tpu.memory_space<hbm>>, %arg6: memref<1024xf32, #tpu.memory_space<hbm>>, %arg7: memref<100000xf32, #tpu.memory_space<vmem>>, %arg8: memref<16384xi32, #tpu.memory_space<vmem>>, %arg9: memref<8192xi32, #tpu.memory_space<vmem>>, %arg10: memref<32xi32, #tpu.memory_space<vmem>>, %arg11: memref<32xi32, #tpu.memory_space<vmem>>, %arg12: memref<32xf32, #tpu.memory_space<vmem>>, %arg13: memref<32xf32, #tpu.memory_space<vmem>>) attributes {dimension_semantics = [#tpu.dimension_semantics<core_parallel>, #tpu.dimension_semantics<subcore_parallel>], iteration_bounds = array<i64: 2, 16>, scalar_prefetch = 0 : i64, scratch_operands = 7 : i64, tpu.core_type = #tpu.core_type<sc_vector_subcore>, window_params = [{transform_indices = #map}, {transform_indices = #map1}, {transform_indices = #map1}, {transform_indices = #map1}, {transform_indices = #map1}]} {
    %iota3A = tpu.iota {dimensions = array<i32: 0>} : vector<16xi32>
    %mul3A = arith.constant 1024 : i32
    %mul3A_0 = vector.broadcast %mul3A : i32 to vector<16xi32>
    %mul3A_1 = arith.muli %iota3A, %mul3A_0 : vector<16xi32>
    %broadcast_in_dim3A = arith.constant 1 : i32
    %broadcast_in_dim3A_2 = vector.broadcast %broadcast_in_dim3A : i32 to vector<16xi32>
    %broadcast_in_dim3A_3 = arith.constant 0 : i32
    %broadcast_in_dim3A_4 = vector.broadcast %broadcast_in_dim3A_3 : i32 to vector<16xi32>
    %mul3A_5 = arith.constant 16 : i32
    %mul3A_6 = arith.muli %arg0, %mul3A_5 : i32
    %add3A = arith.addi %mul3A_6, %arg1 : i32
    %mul3A_7 = arith.constant 32 : i32
    %mul3A_8 = arith.muli %add3A, %mul3A_7 : i32
    "tpu.region"() ({
      %run_scoped3A = tpu.sem_alloc : memref<!tpu.dma_semaphore, #tpu.memory_space<semaphore_mem>>
      %dma_start3A = tpu.memref_slice %arg3[%mul3A_8] : memref<1024xi32, #tpu.memory_space<hbm>> -> memref<32xi32, #tpu.memory_space<hbm>>
      %dma_start3A_15 = tpu.memref_slice %arg3[%mul3A_8] : memref<1024xi32, #tpu.memory_space<hbm>> -> memref<32xi32, #tpu.memory_space<hbm>>
      tpu.enqueue_dma source(%dma_start3A_15 : memref<32xi32, #tpu.memory_space<hbm>>) target(%arg10 : memref<32xi32, #tpu.memory_space<vmem>>) target_semaphore(%run_scoped3A : memref<!tpu.dma_semaphore, #tpu.memory_space<semaphore_mem>>)
      %dma_wait3A = tpu.memref_slice %arg3[%mul3A_8] : memref<1024xi32, #tpu.memory_space<hbm>> -> memref<32xi32, #tpu.memory_space<hbm>>
      %dma_wait3A_16 = tpu.memref_slice %arg3[%mul3A_8] : memref<1024xi32, #tpu.memory_space<hbm>> -> memref<32xi32, #tpu.memory_space<hbm>>
      tpu.wait_dma2 semaphore(%run_scoped3A : memref<!tpu.dma_semaphore, #tpu.memory_space<semaphore_mem>>) src(%dma_wait3A_16 : memref<32xi32, #tpu.memory_space<hbm>>) dst(%arg10 : memref<32xi32, #tpu.memory_space<vmem>>)
      tpu.yield
    }) : () -> ()
    %scan3A = arith.constant 0 : i32
    %scan3A_9 = arith.constant 0 : i32
    %scan3A_10 = arith.constant 32 : i32
    %scan3A_11 = arith.addi %scan3A_9, %scan3A_10 : i32
    %scan3A_12 = arith.constant 1 : i32
    %scan3A_13 = scf.for %scan3A_15 = %scan3A_9 to %scan3A_11 step %scan3A_12 iter_args(%scan3A_16 = %scan3A) -> (i32)  : i32 {
      %add3A_17 = arith.addi %mul3A_8, %scan3A_15 : i32
      "tpu.region"() ({
        %run_scoped3A = tpu.sem_alloc : memref<!tpu.dma_semaphore, #tpu.memory_space<semaphore_mem>>
        %dma_start3A = arith.constant 0 : i32
        %dma_start3A_164 = tpu.memref_slice %arg2[%add3A_17, %dma_start3A] : memref<1024x100000xf32, #tpu.memory_space<hbm>> -> memref<1x100000xf32, #tpu.memory_space<hbm>>
        %dma_start3A_165 = tpu.memref_squeeze %dma_start3A_164 : memref<1x100000xf32, #tpu.memory_space<hbm>> -> memref<100000xf32, #tpu.memory_space<hbm>>
        %dma_start3A_166 = arith.constant 0 : i32
        %dma_start3A_167 = tpu.memref_slice %arg2[%add3A_17, %dma_start3A_166] : memref<1024x100000xf32, #tpu.memory_space<hbm>> -> memref<1x100000xf32, #tpu.memory_space<hbm>>
        %dma_start3A_168 = tpu.memref_squeeze %dma_start3A_167 : memref<1x100000xf32, #tpu.memory_space<hbm>> -> memref<100000xf32, #tpu.memory_space<hbm>>
        tpu.enqueue_dma source(%dma_start3A_168 : memref<100000xf32, #tpu.memory_space<hbm>>) target(%arg7 : memref<100000xf32, #tpu.memory_space<vmem>>) target_semaphore(%run_scoped3A : memref<!tpu.dma_semaphore, #tpu.memory_space<semaphore_mem>>)
        %dma_wait3A = arith.constant 0 : i32
        %dma_wait3A_169 = tpu.memref_slice %arg2[%add3A_17, %dma_wait3A] : memref<1024x100000xf32, #tpu.memory_space<hbm>> -> memref<1x100000xf32, #tpu.memory_space<hbm>>
        %dma_wait3A_170 = tpu.memref_squeeze %dma_wait3A_169 : memref<1x100000xf32, #tpu.memory_space<hbm>> -> memref<100000xf32, #tpu.memory_space<hbm>>
        %dma_wait3A_171 = arith.constant 0 : i32
        %dma_wait3A_172 = tpu.memref_slice %arg2[%add3A_17, %dma_wait3A_171] : memref<1024x100000xf32, #tpu.memory_space<hbm>> -> memref<1x100000xf32, #tpu.memory_space<hbm>>
        %dma_wait3A_173 = tpu.memref_squeeze %dma_wait3A_172 : memref<1x100000xf32, #tpu.memory_space<hbm>> -> memref<100000xf32, #tpu.memory_space<hbm>>
        tpu.wait_dma2 semaphore(%run_scoped3A : memref<!tpu.dma_semaphore, #tpu.memory_space<semaphore_mem>>) src(%dma_wait3A_173 : memref<100000xf32, #tpu.memory_space<hbm>>) dst(%arg7 : memref<100000xf32, #tpu.memory_space<vmem>>)
        tpu.yield
      }) : () -> ()
      %scan3A_18 = arith.constant 0 : i32
      %scan3A_19 = arith.constant 0 : i32
      %scan3A_20 = arith.constant 128 : i32
      %scan3A_21 = arith.addi %scan3A_19, %scan3A_20 : i32
      %scan3A_22 = arith.constant 1 : i32
      scf.for %scan3A_164 = %scan3A_19 to %scan3A_21 step %scan3A_22  : i32 {
        %mul3A_165 = arith.constant 128 : i32
        %mul3A_166 = arith.muli %scan3A_164, %mul3A_165 : i32
        %add3A_167 = arith.constant 0 : i32
        %add3A_168 = arith.addi %mul3A_166, %add3A_167 : i32
        %swap3A = arith.index_cast %add3A_168 : i32 to index
        %swap3A_169 = tpu.vector_load %arg8[%swap3A] {strides = array<i32>} : memref<16384xi32, #tpu.memory_space<vmem>>, vector<16xi32>,
        tpu.vector_store %arg8[%swap3A], %broadcast_in_dim3A_4 {strides = array<i32>} : memref<16384xi32, #tpu.memory_space<vmem>>, vector<16xi32>,
        %mul3A_170 = arith.constant 128 : i32
        %mul3A_171 = arith.muli %scan3A_164, %mul3A_170 : i32
        %add3A_172 = arith.constant 16 : i32
        %add3A_173 = arith.addi %mul3A_171, %add3A_172 : i32
        %swap3A_174 = arith.index_cast %add3A_173 : i32 to index
        %swap3A_175 = tpu.vector_load %arg8[%swap3A_174] {strides = array<i32>} : memref<16384xi32, #tpu.memory_space<vmem>>, vector<16xi32>,
        tpu.vector_store %arg8[%swap3A_174], %broadcast_in_dim3A_4 {strides = array<i32>} : memref<16384xi32, #tpu.memory_space<vmem>>, vector<16xi32>,
        %mul3A_176 = arith.constant 128 : i32
        %mul3A_177 = arith.muli %scan3A_164, %mul3A_176 : i32
        %add3A_178 = arith.constant 32 : i32
        %add3A_179 = arith.addi %mul3A_177, %add3A_178 : i32
        %swap3A_180 = arith.index_cast %add3A_179 : i32 to index
        %swap3A_181 = tpu.vector_load %arg8[%swap3A_180] {strides = array<i32>} : memref<16384xi32, #tpu.memory_space<vmem>>, vector<16xi32>,
        tpu.vector_store %arg8[%swap3A_180], %broadcast_in_dim3A_4 {strides = array<i32>} : memref<16384xi32, #tpu.memory_space<vmem>>, vector<16xi32>,
        %mul3A_182 = arith.constant 128 : i32
        %mul3A_183 = arith.muli %scan3A_164, %mul3A_182 : i32
        %add3A_184 = arith.constant 48 : i32
        %add3A_185 = arith.addi %mul3A_183, %add3A_184 : i32
        %swap3A_186 = arith.index_cast %add3A_185 : i32 to index
        %swap3A_187 = tpu.vector_load %arg8[%swap3A_186] {strides = array<i32>} : memref<16384xi32, #tpu.memory_space<vmem>>, vector<16xi32>,
        tpu.vector_store %arg8[%swap3A_186], %broadcast_in_dim3A_4 {strides = array<i32>} : memref<16384xi32, #tpu.memory_space<vmem>>, vector<16xi32>,
        %mul3A_188 = arith.constant 128 : i32
        %mul3A_189 = arith.muli %scan3A_164, %mul3A_188 : i32
        %add3A_190 = arith.constant 64 : i32
        %add3A_191 = arith.addi %mul3A_189, %add3A_190 : i32
        %swap3A_192 = arith.index_cast %add3A_191 : i32 to index
        %swap3A_193 = tpu.vector_load %arg8[%swap3A_192] {strides = array<i32>} : memref<16384xi32, #tpu.memory_space<vmem>>, vector<16xi32>,
        tpu.vector_store %arg8[%swap3A_192], %broadcast_in_dim3A_4 {strides = array<i32>} : memref<16384xi32, #tpu.memory_space<vmem>>, vector<16xi32>,
        %mul3A_194 = arith.constant 128 : i32
        %mul3A_195 = arith.muli %scan3A_164, %mul3A_194 : i32
        %add3A_196 = arith.constant 80 : i32
        %add3A_197 = arith.addi %mul3A_195, %add3A_196 : i32
        %swap3A_198 = arith.index_cast %add3A_197 : i32 to index
        %swap3A_199 = tpu.vector_load %arg8[%swap3A_198] {strides = array<i32>} : memref<16384xi32, #tpu.memory_space<vmem>>, vector<16xi32>,
        tpu.vector_store %arg8[%swap3A_198], %broadcast_in_dim3A_4 {strides = array<i32>} : memref<16384xi32, #tpu.memory_space<vmem>>, vector<16xi32>,
        %mul3A_200 = arith.constant 128 : i32
        %mul3A_201 = arith.muli %scan3A_164, %mul3A_200 : i32
        %add3A_202 = arith.constant 96 : i32
        %add3A_203 = arith.addi %mul3A_201, %add3A_202 : i32
        %swap3A_204 = arith.index_cast %add3A_203 : i32 to index
        %swap3A_205 = tpu.vector_load %arg8[%swap3A_204] {strides = array<i32>} : memref<16384xi32, #tpu.memory_space<vmem>>, vector<16xi32>,
        tpu.vector_store %arg8[%swap3A_204], %broadcast_in_dim3A_4 {strides = array<i32>} : memref<16384xi32, #tpu.memory_space<vmem>>, vector<16xi32>,
        %mul3A_206 = arith.constant 128 : i32
        %mul3A_207 = arith.muli %scan3A_164, %mul3A_206 : i32
        %add3A_208 = arith.constant 112 : i32
        %add3A_209 = arith.addi %mul3A_207, %add3A_208 : i32
        %swap3A_210 = arith.index_cast %add3A_209 : i32 to index
        %swap3A_211 = tpu.vector_load %arg8[%swap3A_210] {strides = array<i32>} : memref<16384xi32, #tpu.memory_space<vmem>>, vector<16xi32>,
        tpu.vector_store %arg8[%swap3A_210], %broadcast_in_dim3A_4 {strides = array<i32>} : memref<16384xi32, #tpu.memory_space<vmem>>, vector<16xi32>,
      }
      %scan3A_23 = arith.constant 128 : i32
      %broadcast_in_dim3A_24 = arith.constant 0xFF800000 : f32
      %broadcast_in_dim3A_25 = vector.broadcast %broadcast_in_dim3A_24 : f32 to vector<16xf32>
      %scan3A_26 = arith.constant 0 : i32
      %scan3A_27 = arith.constant 625 : i32
      %scan3A_28 = arith.addi %scan3A_26, %scan3A_27 : i32
      %scan3A_29 = arith.constant 1 : i32
      %scan3A_30 = scf.for %scan3A_164 = %scan3A_26 to %scan3A_28 step %scan3A_29 iter_args(%scan3A_165 = %broadcast_in_dim3A_25) -> (vector<16xf32>)  : i32 {
        %mul3A_166 = arith.constant 10 : i32
        %mul3A_167 = arith.muli %scan3A_164, %mul3A_166 : i32
        %add3A_168 = arith.constant 0 : i32
        %add3A_169 = arith.addi %mul3A_167, %add3A_168 : i32
        %mul3A_170 = arith.constant 16 : i32
        %mul3A_171 = arith.muli %add3A_169, %mul3A_170 : i32
        %get3A_172 = arith.index_cast %mul3A_171 : i32 to index
        %get3A_173 = tpu.vector_load %arg7[%get3A_172] {strides = array<i32>} : memref<100000xf32, #tpu.memory_space<vmem>>, vector<16xf32>,
        %bitcast_convert_type3A_174 = tpu.bitcast %get3A_173 : vector<16xf32> -> vector<16xi32>
        %ge3A_175 = arith.constant -2147483648 : i32
        %ge3A_176 = vector.broadcast %ge3A_175 : i32 to vector<16xi32>
        %ge3A_177 = arith.cmpi uge, %bitcast_convert_type3A_174, %ge3A_176 : vector<16xi32>
        %xor3A_178 = arith.constant -1 : i32
        %xor3A_179 = vector.broadcast %xor3A_178 : i32 to vector<16xi32>
        %xor3A_180 = arith.xori %bitcast_convert_type3A_174, %xor3A_179 : vector<16xi32>
        %xor3A_181 = arith.constant -2147483648 : i32
        %xor3A_182 = vector.broadcast %xor3A_181 : i32 to vector<16xi32>
        %xor3A_183 = arith.xori %bitcast_convert_type3A_174, %xor3A_182 : vector<16xi32>
        %select_n3A_184 = arith.select %ge3A_177, %xor3A_180, %xor3A_183 : vector<16xi1>, vector<16xi32>
        %shift_right_logical3A_185 = arith.constant 22 : i32
        %shift_right_logical3A_186 = vector.broadcast %shift_right_logical3A_185 : i32 to vector<16xi32>
        %shift_right_logical3A_187 = arith.shrui %select_n3A_184, %shift_right_logical3A_186 : vector<16xi32>
        %add3A_188 = arith.addi %shift_right_logical3A_187, %mul3A_1 : vector<16xi32>
        tpu.vector_store_idx %arg8[%add3A_188], %broadcast_in_dim3A_2 {add = true} : memref<16384xi32, #tpu.memory_space<vmem>>[vector<16xi32>], vector<16xi32>,
        %max3A = arith.maximumf %scan3A_165, %get3A_173 : vector<16xf32>
        %mul3A_189 = arith.constant 10 : i32
        %mul3A_190 = arith.muli %scan3A_164, %mul3A_189 : i32
        %add3A_191 = arith.constant 1 : i32
        %add3A_192 = arith.addi %mul3A_190, %add3A_191 : i32
        %mul3A_193 = arith.constant 16 : i32
        %mul3A_194 = arith.muli %add3A_192, %mul3A_193 : i32
        %get3A_195 = arith.index_cast %mul3A_194 : i32 to index
        %get3A_196 = tpu.vector_load %arg7[%get3A_195] {strides = array<i32>} : memref<100000xf32, #tpu.memory_space<vmem>>, vector<16xf32>,
        %bitcast_convert_type3A_197 = tpu.bitcast %get3A_196 : vector<16xf32> -> vector<16xi32>
        %ge3A_198 = arith.constant -2147483648 : i32
        %ge3A_199 = vector.broadcast %ge3A_198 : i32 to vector<16xi32>
        %ge3A_200 = arith.cmpi uge, %bitcast_convert_type3A_197, %ge3A_199 : vector<16xi32>
        %xor3A_201 = arith.constant -1 : i32
        %xor3A_202 = vector.broadcast %xor3A_201 : i32 to vector<16xi32>
        %xor3A_203 = arith.xori %bitcast_convert_type3A_197, %xor3A_202 : vector<16xi32>
        %xor3A_204 = arith.constant -2147483648 : i32
        %xor3A_205 = vector.broadcast %xor3A_204 : i32 to vector<16xi32>
        %xor3A_206 = arith.xori %bitcast_convert_type3A_197, %xor3A_205 : vector<16xi32>
        %select_n3A_207 = arith.select %ge3A_200, %xor3A_203, %xor3A_206 : vector<16xi1>, vector<16xi32>
        %shift_right_logical3A_208 = arith.constant 22 : i32
        %shift_right_logical3A_209 = vector.broadcast %shift_right_logical3A_208 : i32 to vector<16xi32>
        %shift_right_logical3A_210 = arith.shrui %select_n3A_207, %shift_right_logical3A_209 : vector<16xi32>
        %add3A_211 = arith.addi %shift_right_logical3A_210, %mul3A_1 : vector<16xi32>
        tpu.vector_store_idx %arg8[%add3A_211], %broadcast_in_dim3A_2 {add = true} : memref<16384xi32, #tpu.memory_space<vmem>>[vector<16xi32>], vector<16xi32>,
        %max3A_212 = arith.maximumf %max3A, %get3A_196 : vector<16xf32>
        %mul3A_213 = arith.constant 10 : i32
        %mul3A_214 = arith.muli %scan3A_164, %mul3A_213 : i32
        %add3A_215 = arith.constant 2 : i32
        %add3A_216 = arith.addi %mul3A_214, %add3A_215 : i32
        %mul3A_217 = arith.constant 16 : i32
        %mul3A_218 = arith.muli %add3A_216, %mul3A_217 : i32
        %get3A_219 = arith.index_cast %mul3A_218 : i32 to index
        %get3A_220 = tpu.vector_load %arg7[%get3A_219] {strides = array<i32>} : memref<100000xf32, #tpu.memory_space<vmem>>, vector<16xf32>,
        %bitcast_convert_type3A_221 = tpu.bitcast %get3A_220 : vector<16xf32> -> vector<16xi32>
        %ge3A_222 = arith.constant -2147483648 : i32
        %ge3A_223 = vector.broadcast %ge3A_222 : i32 to vector<16xi32>
        %ge3A_224 = arith.cmpi uge, %bitcast_convert_type3A_221, %ge3A_223 : vector<16xi32>
        %xor3A_225 = arith.constant -1 : i32
        %xor3A_226 = vector.broadcast %xor3A_225 : i32 to vector<16xi32>
        %xor3A_227 = arith.xori %bitcast_convert_type3A_221, %xor3A_226 : vector<16xi32>
        %xor3A_228 = arith.constant -2147483648 : i32
        %xor3A_229 = vector.broadcast %xor3A_228 : i32 to vector<16xi32>
        %xor3A_230 = arith.xori %bitcast_convert_type3A_221, %xor3A_229 : vector<16xi32>
        %select_n3A_231 = arith.select %ge3A_224, %xor3A_227, %xor3A_230 : vector<16xi1>, vector<16xi32>
        %shift_right_logical3A_232 = arith.constant 22 : i32
        %shift_right_logical3A_233 = vector.broadcast %shift_right_logical3A_232 : i32 to vector<16xi32>
        %shift_right_logical3A_234 = arith.shrui %select_n3A_231, %shift_right_logical3A_233 : vector<16xi32>
        %add3A_235 = arith.addi %shift_right_logical3A_234, %mul3A_1 : vector<16xi32>
        tpu.vector_store_idx %arg8[%add3A_235], %broadcast_in_dim3A_2 {add = true} : memref<16384xi32, #tpu.memory_space<vmem>>[vector<16xi32>], vector<16xi32>,
        %max3A_236 = arith.maximumf %max3A_212, %get3A_220 : vector<16xf32>
        %mul3A_237 = arith.constant 10 : i32
        %mul3A_238 = arith.muli %scan3A_164, %mul3A_237 : i32
        %add3A_239 = arith.constant 3 : i32
        %add3A_240 = arith.addi %mul3A_238, %add3A_239 : i32
        %mul3A_241 = arith.constant 16 : i32
        %mul3A_242 = arith.muli %add3A_240, %mul3A_241 : i32
        %get3A_243 = arith.index_cast %mul3A_242 : i32 to index
        %get3A_244 = tpu.vector_load %arg7[%get3A_243] {strides = array<i32>} : memref<100000xf32, #tpu.memory_space<vmem>>, vector<16xf32>,
        %bitcast_convert_type3A_245 = tpu.bitcast %get3A_244 : vector<16xf32> -> vector<16xi32>
        %ge3A_246 = arith.constant -2147483648 : i32
        %ge3A_247 = vector.broadcast %ge3A_246 : i32 to vector<16xi32>
        %ge3A_248 = arith.cmpi uge, %bitcast_convert_type3A_245, %ge3A_247 : vector<16xi32>
        %xor3A_249 = arith.constant -1 : i32
        %xor3A_250 = vector.broadcast %xor3A_249 : i32 to vector<16xi32>
        %xor3A_251 = arith.xori %bitcast_convert_type3A_245, %xor3A_250 : vector<16xi32>
        %xor3A_252 = arith.constant -2147483648 : i32
        %xor3A_253 = vector.broadcast %xor3A_252 : i32 to vector<16xi32>
        %xor3A_254 = arith.xori %bitcast_convert_type3A_245, %xor3A_253 : vector<16xi32>
        %select_n3A_255 = arith.select %ge3A_248, %xor3A_251, %xor3A_254 : vector<16xi1>, vector<16xi32>
        %shift_right_logical3A_256 = arith.constant 22 : i32
        %shift_right_logical3A_257 = vector.broadcast %shift_right_logical3A_256 : i32 to vector<16xi32>
        %shift_right_logical3A_258 = arith.shrui %select_n3A_255, %shift_right_logical3A_257 : vector<16xi32>
        %add3A_259 = arith.addi %shift_right_logical3A_258, %mul3A_1 : vector<16xi32>
        tpu.vector_store_idx %arg8[%add3A_259], %broadcast_in_dim3A_2 {add = true} : memref<16384xi32, #tpu.memory_space<vmem>>[vector<16xi32>], vector<16xi32>,
        %max3A_260 = arith.maximumf %max3A_236, %get3A_244 : vector<16xf32>
        %mul3A_261 = arith.constant 10 : i32
        %mul3A_262 = arith.muli %scan3A_164, %mul3A_261 : i32
        %add3A_263 = arith.constant 4 : i32
        %add3A_264 = arith.addi %mul3A_262, %add3A_263 : i32
        %mul3A_265 = arith.constant 16 : i32
        %mul3A_266 = arith.muli %add3A_264, %mul3A_265 : i32
        %get3A_267 = arith.index_cast %mul3A_266 : i32 to index
        %get3A_268 = tpu.vector_load %arg7[%get3A_267] {strides = array<i32>} : memref<100000xf32, #tpu.memory_space<vmem>>, vector<16xf32>,
        %bitcast_convert_type3A_269 = tpu.bitcast %get3A_268 : vector<16xf32> -> vector<16xi32>
        %ge3A_270 = arith.constant -2147483648 : i32
        %ge3A_271 = vector.broadcast %ge3A_270 : i32 to vector<16xi32>
        %ge3A_272 = arith.cmpi uge, %bitcast_convert_type3A_269, %ge3A_271 : vector<16xi32>
        %xor3A_273 = arith.constant -1 : i32
        %xor3A_274 = vector.broadcast %xor3A_273 : i32 to vector<16xi32>
        %xor3A_275 = arith.xori %bitcast_convert_type3A_269, %xor3A_274 : vector<16xi32>
        %xor3A_276 = arith.constant -2147483648 : i32
        %xor3A_277 = vector.broadcast %xor3A_276 : i32 to vector<16xi32>
        %xor3A_278 = arith.xori %bitcast_convert_type3A_269, %xor3A_277 : vector<16xi32>
        %select_n3A_279 = arith.select %ge3A_272, %xor3A_275, %xor3A_278 : vector<16xi1>, vector<16xi32>
        %shift_right_logical3A_280 = arith.constant 22 : i32
        %shift_right_logical3A_281 = vector.broadcast %shift_right_logical3A_280 : i32 to vector<16xi32>
        %shift_right_logical3A_282 = arith.shrui %select_n3A_279, %shift_right_logical3A_281 : vector<16xi32>
        %add3A_283 = arith.addi %shift_right_logical3A_282, %mul3A_1 : vector<16xi32>
        tpu.vector_store_idx %arg8[%add3A_283], %broadcast_in_dim3A_2 {add = true} : memref<16384xi32, #tpu.memory_space<vmem>>[vector<16xi32>], vector<16xi32>,
        %max3A_284 = arith.maximumf %max3A_260, %get3A_268 : vector<16xf32>
        %mul3A_285 = arith.constant 10 : i32
        %mul3A_286 = arith.muli %scan3A_164, %mul3A_285 : i32
        %add3A_287 = arith.constant 5 : i32
        %add3A_288 = arith.addi %mul3A_286, %add3A_287 : i32
        %mul3A_289 = arith.constant 16 : i32
        %mul3A_290 = arith.muli %add3A_288, %mul3A_289 : i32
        %get3A_291 = arith.index_cast %mul3A_290 : i32 to index
        %get3A_292 = tpu.vector_load %arg7[%get3A_291] {strides = array<i32>} : memref<100000xf32, #tpu.memory_space<vmem>>, vector<16xf32>,
        %bitcast_convert_type3A_293 = tpu.bitcast %get3A_292 : vector<16xf32> -> vector<16xi32>
        %ge3A_294 = arith.constant -2147483648 : i32
        %ge3A_295 = vector.broadcast %ge3A_294 : i32 to vector<16xi32>
        %ge3A_296 = arith.cmpi uge, %bitcast_convert_type3A_293, %ge3A_295 : vector<16xi32>
        %xor3A_297 = arith.constant -1 : i32
        %xor3A_298 = vector.broadcast %xor3A_297 : i32 to vector<16xi32>
        %xor3A_299 = arith.xori %bitcast_convert_type3A_293, %xor3A_298 : vector<16xi32>
        %xor3A_300 = arith.constant -2147483648 : i32
        %xor3A_301 = vector.broadcast %xor3A_300 : i32 to vector<16xi32>
        %xor3A_302 = arith.xori %bitcast_convert_type3A_293, %xor3A_301 : vector<16xi32>
        %select_n3A_303 = arith.select %ge3A_296, %xor3A_299, %xor3A_302 : vector<16xi1>, vector<16xi32>
        %shift_right_logical3A_304 = arith.constant 22 : i32
        %shift_right_logical3A_305 = vector.broadcast %shift_right_logical3A_304 : i32 to vector<16xi32>
        %shift_right_logical3A_306 = arith.shrui %select_n3A_303, %shift_right_logical3A_305 : vector<16xi32>
        %add3A_307 = arith.addi %shift_right_logical3A_306, %mul3A_1 : vector<16xi32>
        tpu.vector_store_idx %arg8[%add3A_307], %broadcast_in_dim3A_2 {add = true} : memref<16384xi32, #tpu.memory_space<vmem>>[vector<16xi32>], vector<16xi32>,
        %max3A_308 = arith.maximumf %max3A_284, %get3A_292 : vector<16xf32>
        %mul3A_309 = arith.constant 10 : i32
        %mul3A_310 = arith.muli %scan3A_164, %mul3A_309 : i32
        %add3A_311 = arith.constant 6 : i32
        %add3A_312 = arith.addi %mul3A_310, %add3A_311 : i32
        %mul3A_313 = arith.constant 16 : i32
        %mul3A_314 = arith.muli %add3A_312, %mul3A_313 : i32
        %get3A_315 = arith.index_cast %mul3A_314 : i32 to index
        %get3A_316 = tpu.vector_load %arg7[%get3A_315] {strides = array<i32>} : memref<100000xf32, #tpu.memory_space<vmem>>, vector<16xf32>,
        %bitcast_convert_type3A_317 = tpu.bitcast %get3A_316 : vector<16xf32> -> vector<16xi32>
        %ge3A_318 = arith.constant -2147483648 : i32
        %ge3A_319 = vector.broadcast %ge3A_318 : i32 to vector<16xi32>
        %ge3A_320 = arith.cmpi uge, %bitcast_convert_type3A_317, %ge3A_319 : vector<16xi32>
        %xor3A_321 = arith.constant -1 : i32
        %xor3A_322 = vector.broadcast %xor3A_321 : i32 to vector<16xi32>
        %xor3A_323 = arith.xori %bitcast_convert_type3A_317, %xor3A_322 : vector<16xi32>
        %xor3A_324 = arith.constant -2147483648 : i32
        %xor3A_325 = vector.broadcast %xor3A_324 : i32 to vector<16xi32>
        %xor3A_326 = arith.xori %bitcast_convert_type3A_317, %xor3A_325 : vector<16xi32>
        %select_n3A_327 = arith.select %ge3A_320, %xor3A_323, %xor3A_326 : vector<16xi1>, vector<16xi32>
        %shift_right_logical3A_328 = arith.constant 22 : i32
        %shift_right_logical3A_329 = vector.broadcast %shift_right_logical3A_328 : i32 to vector<16xi32>
        %shift_right_logical3A_330 = arith.shrui %select_n3A_327, %shift_right_logical3A_329 : vector<16xi32>
        %add3A_331 = arith.addi %shift_right_logical3A_330, %mul3A_1 : vector<16xi32>
        tpu.vector_store_idx %arg8[%add3A_331], %broadcast_in_dim3A_2 {add = true} : memref<16384xi32, #tpu.memory_space<vmem>>[vector<16xi32>], vector<16xi32>,
        %max3A_332 = arith.maximumf %max3A_308, %get3A_316 : vector<16xf32>
        %mul3A_333 = arith.constant 10 : i32
        %mul3A_334 = arith.muli %scan3A_164, %mul3A_333 : i32
        %add3A_335 = arith.constant 7 : i32
        %add3A_336 = arith.addi %mul3A_334, %add3A_335 : i32
        %mul3A_337 = arith.constant 16 : i32
        %mul3A_338 = arith.muli %add3A_336, %mul3A_337 : i32
        %get3A_339 = arith.index_cast %mul3A_338 : i32 to index
        %get3A_340 = tpu.vector_load %arg7[%get3A_339] {strides = array<i32>} : memref<100000xf32, #tpu.memory_space<vmem>>, vector<16xf32>,
        %bitcast_convert_type3A_341 = tpu.bitcast %get3A_340 : vector<16xf32> -> vector<16xi32>
        %ge3A_342 = arith.constant -2147483648 : i32
        %ge3A_343 = vector.broadcast %ge3A_342 : i32 to vector<16xi32>
        %ge3A_344 = arith.cmpi uge, %bitcast_convert_type3A_341, %ge3A_343 : vector<16xi32>
        %xor3A_345 = arith.constant -1 : i32
        %xor3A_346 = vector.broadcast %xor3A_345 : i32 to vector<16xi32>
        %xor3A_347 = arith.xori %bitcast_convert_type3A_341, %xor3A_346 : vector<16xi32>
        %xor3A_348 = arith.constant -2147483648 : i32
        %xor3A_349 = vector.broadcast %xor3A_348 : i32 to vector<16xi32>
        %xor3A_350 = arith.xori %bitcast_convert_type3A_341, %xor3A_349 : vector<16xi32>
        %select_n3A_351 = arith.select %ge3A_344, %xor3A_347, %xor3A_350 : vector<16xi1>, vector<16xi32>
        %shift_right_logical3A_352 = arith.constant 22 : i32
        %shift_right_logical3A_353 = vector.broadcast %shift_right_logical3A_352 : i32 to vector<16xi32>
        %shift_right_logical3A_354 = arith.shrui %select_n3A_351, %shift_right_logical3A_353 : vector<16xi32>
        %add3A_355 = arith.addi %shift_right_logical3A_354, %mul3A_1 : vector<16xi32>
        tpu.vector_store_idx %arg8[%add3A_355], %broadcast_in_dim3A_2 {add = true} : memref<16384xi32, #tpu.memory_space<vmem>>[vector<16xi32>], vector<16xi32>,
        %max3A_356 = arith.maximumf %max3A_332, %get3A_340 : vector<16xf32>
        %mul3A_357 = arith.constant 10 : i32
        %mul3A_358 = arith.muli %scan3A_164, %mul3A_357 : i32
        %add3A_359 = arith.constant 8 : i32
        %add3A_360 = arith.addi %mul3A_358, %add3A_359 : i32
        %mul3A_361 = arith.constant 16 : i32
        %mul3A_362 = arith.muli %add3A_360, %mul3A_361 : i32
        %get3A_363 = arith.index_cast %mul3A_362 : i32 to index
        %get3A_364 = tpu.vector_load %arg7[%get3A_363] {strides = array<i32>} : memref<100000xf32, #tpu.memory_space<vmem>>, vector<16xf32>,
        %bitcast_convert_type3A_365 = tpu.bitcast %get3A_364 : vector<16xf32> -> vector<16xi32>
        %ge3A_366 = arith.constant -2147483648 : i32
        %ge3A_367 = vector.broadcast %ge3A_366 : i32 to vector<16xi32>
        %ge3A_368 = arith.cmpi uge, %bitcast_convert_type3A_365, %ge3A_367 : vector<16xi32>
        %xor3A_369 = arith.constant -1 : i32
        %xor3A_370 = vector.broadcast %xor3A_369 : i32 to vector<16xi32>
        %xor3A_371 = arith.xori %bitcast_convert_type3A_365, %xor3A_370 : vector<16xi32>
        %xor3A_372 = arith.constant -2147483648 : i32
        %xor3A_373 = vector.broadcast %xor3A_372 : i32 to vector<16xi32>
        %xor3A_374 = arith.xori %bitcast_convert_type3A_365, %xor3A_373 : vector<16xi32>
        %select_n3A_375 = arith.select %ge3A_368, %xor3A_371, %xor3A_374 : vector<16xi1>, vector<16xi32>
        %shift_right_logical3A_376 = arith.constant 22 : i32
        %shift_right_logical3A_377 = vector.broadcast %shift_right_logical3A_376 : i32 to vector<16xi32>
        %shift_right_logical3A_378 = arith.shrui %select_n3A_375, %shift_right_logical3A_377 : vector<16xi32>
        %add3A_379 = arith.addi %shift_right_logical3A_378, %mul3A_1 : vector<16xi32>
        tpu.vector_store_idx %arg8[%add3A_379], %broadcast_in_dim3A_2 {add = true} : memref<16384xi32, #tpu.memory_space<vmem>>[vector<16xi32>], vector<16xi32>,
        %max3A_380 = arith.maximumf %max3A_356, %get3A_364 : vector<16xf32>
        %mul3A_381 = arith.constant 10 : i32
        %mul3A_382 = arith.muli %scan3A_164, %mul3A_381 : i32
        %add3A_383 = arith.constant 9 : i32
        %add3A_384 = arith.addi %mul3A_382, %add3A_383 : i32
        %mul3A_385 = arith.constant 16 : i32
        %mul3A_386 = arith.muli %add3A_384, %mul3A_385 : i32
        %get3A_387 = arith.index_cast %mul3A_386 : i32 to index
        %get3A_388 = tpu.vector_load %arg7[%get3A_387] {strides = array<i32>} : memref<100000xf32, #tpu.memory_space<vmem>>, vector<16xf32>,
        %bitcast_convert_type3A_389 = tpu.bitcast %get3A_388 : vector<16xf32> -> vector<16xi32>
        %ge3A_390 = arith.constant -2147483648 : i32
        %ge3A_391 = vector.broadcast %ge3A_390 : i32 to vector<16xi32>
        %ge3A_392 = arith.cmpi uge, %bitcast_convert_type3A_389, %ge3A_391 : vector<16xi32>
        %xor3A_393 = arith.constant -1 : i32
        %xor3A_394 = vector.broadcast %xor3A_393 : i32 to vector<16xi32>
        %xor3A_395 = arith.xori %bitcast_convert_type3A_389, %xor3A_394 : vector<16xi32>
        %xor3A_396 = arith.constant -2147483648 : i32
        %xor3A_397 = vector.broadcast %xor3A_396 : i32 to vector<16xi32>
        %xor3A_398 = arith.xori %bitcast_convert_type3A_389, %xor3A_397 : vector<16xi32>
        %select_n3A_399 = arith.select %ge3A_392, %xor3A_395, %xor3A_398 : vector<16xi1>, vector<16xi32>
        %shift_right_logical3A_400 = arith.constant 22 : i32
        %shift_right_logical3A_401 = vector.broadcast %shift_right_logical3A_400 : i32 to vector<16xi32>
        %shift_right_logical3A_402 = arith.shrui %select_n3A_399, %shift_right_logical3A_401 : vector<16xi32>
        %add3A_403 = arith.addi %shift_right_logical3A_402, %mul3A_1 : vector<16xi32>
        tpu.vector_store_idx %arg8[%add3A_403], %broadcast_in_dim3A_2 {add = true} : memref<16384xi32, #tpu.memory_space<vmem>>[vector<16xi32>], vector<16xi32>,
        %max3A_404 = arith.maximumf %max3A_380, %get3A_388 : vector<16xf32>
        scf.yield %max3A_404 : vector<16xf32>
      }
      %scan3A_31 = arith.constant 625 : i32
      %reduce_max3A = arith.constant true
      %reduce_max3A_32 = vector.broadcast %reduce_max3A : i1 to vector<16xi1>
      %reduce_max3A_33 = tpu.scan <max>, %scan3A_30 masked %reduce_max3A_32 : vector<16xf32>, vector<16xi1> -> vector<16xf32>
      %reduce_max3A_34 = vector.extract %reduce_max3A_33[15] : f32 from vector<16xf32>
      %scan3A_35 = arith.constant 0 : i32
      %scan3A_36 = arith.constant -1 : i32
      %scan3A_37 = arith.constant 0 : i32
      %scan3A_38 = arith.constant 64 : i32
      %scan3A_39 = arith.addi %scan3A_37, %scan3A_38 : i32
      %scan3A_40 = arith.constant 1 : i32
      %scan3A_41:2 = scf.for %scan3A_164 = %scan3A_37 to %scan3A_39 step %scan3A_40 iter_args(%scan3A_165 = %scan3A_35, %scan3A_166 = %scan3A_36) -> (i32, i32)  : i32 {
        %add3A_167 = arith.constant 1 : i32
        %add3A_168 = arith.addi %scan3A_164, %add3A_167 : i32
        %mul3A_169 = arith.constant 16 : i32
        %mul3A_170 = arith.muli %mul3A_169, %add3A_168 : i32
        %sub3A_171 = arith.constant 1024 : i32
        %sub3A_172 = arith.subi %sub3A_171, %mul3A_170 : i32
        %add3A_173 = arith.constant 0 : i32
        %add3A_174 = arith.addi %add3A_173, %sub3A_172 : i32
        %get3A_175 = arith.index_cast %add3A_174 : i32 to index
        %get3A_176 = tpu.vector_load %arg8[%get3A_175] {strides = array<i32>} : memref<16384xi32, #tpu.memory_space<vmem>>, vector<16xi32>,
        %add3A_177 = arith.addi %broadcast_in_dim3A_4, %get3A_176 : vector<16xi32>
        %add3A_178 = arith.constant 1024 : i32
        %add3A_179 = arith.addi %add3A_178, %sub3A_172 : i32
        %get3A_180 = arith.index_cast %add3A_179 : i32 to index
        %get3A_181 = tpu.vector_load %arg8[%get3A_180] {strides = array<i32>} : memref<16384xi32, #tpu.memory_space<vmem>>, vector<16xi32>,
        %add3A_182 = arith.addi %add3A_177, %get3A_181 : vector<16xi32>
        %add3A_183 = arith.constant 2048 : i32
        %add3A_184 = arith.addi %add3A_183, %sub3A_172 : i32
        %get3A_185 = arith.index_cast %add3A_184 : i32 to index
        %get3A_186 = tpu.vector_load %arg8[%get3A_185] {strides = array<i32>} : memref<16384xi32, #tpu.memory_space<vmem>>, vector<16xi32>,
        %add3A_187 = arith.addi %add3A_182, %get3A_186 : vector<16xi32>
        %add3A_188 = arith.constant 3072 : i32
        %add3A_189 = arith.addi %add3A_188, %sub3A_172 : i32
        %get3A_190 = arith.index_cast %add3A_189 : i32 to index
        %get3A_191 = tpu.vector_load %arg8[%get3A_190] {strides = array<i32>} : memref<16384xi32, #tpu.memory_space<vmem>>, vector<16xi32>,
        %add3A_192 = arith.addi %add3A_187, %get3A_191 : vector<16xi32>
        %add3A_193 = arith.constant 4096 : i32
        %add3A_194 = arith.addi %add3A_193, %sub3A_172 : i32
        %get3A_195 = arith.index_cast %add3A_194 : i32 to index
        %get3A_196 = tpu.vector_load %arg8[%get3A_195] {strides = array<i32>} : memref<16384xi32, #tpu.memory_space<vmem>>, vector<16xi32>,
        %add3A_197 = arith.addi %add3A_192, %get3A_196 : vector<16xi32>
        %add3A_198 = arith.constant 5120 : i32
        %add3A_199 = arith.addi %add3A_198, %sub3A_172 : i32
        %get3A_200 = arith.index_cast %add3A_199 : i32 to index
        %get3A_201 = tpu.vector_load %arg8[%get3A_200] {strides = array<i32>} : memref<16384xi32, #tpu.memory_space<vmem>>, vector<16xi32>,
        %add3A_202 = arith.addi %add3A_197, %get3A_201 : vector<16xi32>
        %add3A_203 = arith.constant 6144 : i32
        %add3A_204 = arith.addi %add3A_203, %sub3A_172 : i32
        %get3A_205 = arith.index_cast %add3A_204 : i32 to index
        %get3A_206 = tpu.vector_load %arg8[%get3A_205] {strides = array<i32>} : memref<16384xi32, #tpu.memory_space<vmem>>, vector<16xi32>,
        %add3A_207 = arith.addi %add3A_202, %get3A_206 : vector<16xi32>
        %add3A_208 = arith.constant 7168 : i32
        %add3A_209 = arith.addi %add3A_208, %sub3A_172 : i32
        %get3A_210 = arith.index_cast %add3A_209 : i32 to index
        %get3A_211 = tpu.vector_load %arg8[%get3A_210] {strides = array<i32>} : memref<16384xi32, #tpu.memory_space<vmem>>, vector<16xi32>,
        %add3A_212 = arith.addi %add3A_207, %get3A_211 : vector<16xi32>
        %add3A_213 = arith.constant 8192 : i32
        %add3A_214 = arith.addi %add3A_213, %sub3A_172 : i32
        %get3A_215 = arith.index_cast %add3A_214 : i32 to index
        %get3A_216 = tpu.vector_load %arg8[%get3A_215] {strides = array<i32>} : memref<16384xi32, #tpu.memory_space<vmem>>, vector<16xi32>,
        %add3A_217 = arith.addi %add3A_212, %get3A_216 : vector<16xi32>
        %add3A_218 = arith.constant 9216 : i32
        %add3A_219 = arith.addi %add3A_218, %sub3A_172 : i32
        %get3A_220 = arith.index_cast %add3A_219 : i32 to index
        %get3A_221 = tpu.vector_load %arg8[%get3A_220] {strides = array<i32>} : memref<16384xi32, #tpu.memory_space<vmem>>, vector<16xi32>,
        %add3A_222 = arith.addi %add3A_217, %get3A_221 : vector<16xi32>
        %add3A_223 = arith.constant 10240 : i32
        %add3A_224 = arith.addi %add3A_223, %sub3A_172 : i32
        %get3A_225 = arith.index_cast %add3A_224 : i32 to index
        %get3A_226 = tpu.vector_load %arg8[%get3A_225] {strides = array<i32>} : memref<16384xi32, #tpu.memory_space<vmem>>, vector<16xi32>,
        %add3A_227 = arith.addi %add3A_222, %get3A_226 : vector<16xi32>
        %add3A_228 = arith.constant 11264 : i32
        %add3A_229 = arith.addi %add3A_228, %sub3A_172 : i32
        %get3A_230 = arith.index_cast %add3A_229 : i32 to index
        %get3A_231 = tpu.vector_load %arg8[%get3A_230] {strides = array<i32>} : memref<16384xi32, #tpu.memory_space<vmem>>, vector<16xi32>,
        %add3A_232 = arith.addi %add3A_227, %get3A_231 : vector<16xi32>
        %add3A_233 = arith.constant 12288 : i32
        %add3A_234 = arith.addi %add3A_233, %sub3A_172 : i32
        %get3A_235 = arith.index_cast %add3A_234 : i32 to index
        %get3A_236 = tpu.vector_load %arg8[%get3A_235] {strides = array<i32>} : memref<16384xi32, #tpu.memory_space<vmem>>, vector<16xi32>,
        %add3A_237 = arith.addi %add3A_232, %get3A_236 : vector<16xi32>
        %add3A_238 = arith.constant 13312 : i32
        %add3A_239 = arith.addi %add3A_238, %sub3A_172 : i32
        %get3A_240 = arith.index_cast %add3A_239 : i32 to index
        %get3A_241 = tpu.vector_load %arg8[%get3A_240] {strides = array<i32>} : memref<16384xi32, #tpu.memory_space<vmem>>, vector<16xi32>,
        %add3A_242 = arith.addi %add3A_237, %get3A_241 : vector<16xi32>
        %add3A_243 = arith.constant 14336 : i32
        %add3A_244 = arith.addi %add3A_243, %sub3A_172 : i32
        %get3A_245 = arith.index_cast %add3A_244 : i32 to index
        %get3A_246 = tpu.vector_load %arg8[%get3A_245] {strides = array<i32>} : memref<16384xi32, #tpu.memory_space<vmem>>, vector<16xi32>,
        %add3A_247 = arith.addi %add3A_242, %get3A_246 : vector<16xi32>
        %add3A_248 = arith.constant 15360 : i32
        %add3A_249 = arith.addi %add3A_248, %sub3A_172 : i32
        %get3A_250 = arith.index_cast %add3A_249 : i32 to index
        %get3A_251 = tpu.vector_load %arg8[%get3A_250] {strides = array<i32>} : memref<16384xi32, #tpu.memory_space<vmem>>, vector<16xi32>,
        %add3A_252 = arith.addi %add3A_247, %get3A_251 : vector<16xi32>
        %broadcast_in_dim3A_253 = arith.constant true
        %broadcast_in_dim3A_254 = vector.broadcast %broadcast_in_dim3A_253 : i1 to vector<16xi1>
        %masked_cumsum3A = tpu.scan <sum>, %add3A_252 masked %broadcast_in_dim3A_254 : vector<16xi32>, vector<16xi1> -> vector<16xi32>
        %reduce_max3A_255 = arith.constant true
        %reduce_max3A_256 = vector.broadcast %reduce_max3A_255 : i1 to vector<16xi1>
        %reduce_max3A_257 = arith.constant -2147483648 : i32
        %reduce_max3A_258 = vector.broadcast %reduce_max3A_257 : i32 to vector<16xi32>
        %reduce_max3A_259 = arith.xori %masked_cumsum3A, %reduce_max3A_258 : vector<16xi32>
        %reduce_max3A_260 = tpu.scan <max>, %reduce_max3A_259 masked %reduce_max3A_256 : vector<16xi32>, vector<16xi1> -> vector<16xi32>
        %reduce_max3A_261 = arith.xori %reduce_max3A_260, %reduce_max3A_258 : vector<16xi32>
        %reduce_max3A_262 = vector.extract %reduce_max3A_261[15] : i32 from vector<16xi32>
        %sub3A_263 = vector.broadcast %reduce_max3A_262 : i32 to vector<16xi32>
        %sub3A_264 = arith.subi %sub3A_263, %masked_cumsum3A : vector<16xi32>
        %add3A_265 = vector.broadcast %scan3A_165 : i32 to vector<16xi32>
        %add3A_266 = arith.addi %add3A_265, %sub3A_264 : vector<16xi32>
        %add3A_267 = arith.addi %add3A_266, %add3A_252 : vector<16xi32>
        %lt3A_268 = arith.constant 128 : i32
        %lt3A_269 = vector.broadcast %lt3A_268 : i32 to vector<16xi32>
        %lt3A_270 = arith.cmpi slt, %add3A_266, %lt3A_269 : vector<16xi32>
        %ge3A_271 = arith.constant 128 : i32
        %ge3A_272 = vector.broadcast %ge3A_271 : i32 to vector<16xi32>
        %ge3A_273 = arith.cmpi sge, %add3A_267, %ge3A_272 : vector<16xi32>
        %and3A_274 = arith.andi %lt3A_270, %ge3A_273 : vector<16xi1>
        %add3A_275 = vector.broadcast %sub3A_172 : i32 to vector<16xi32>
        %add3A_276 = arith.addi %add3A_275, %iota3A : vector<16xi32>
        %jit3A_277 = arith.constant -1 : i32
        %broadcast_in_dim3A_278 = vector.broadcast %jit3A_277 : i32 to vector<16xi32>
        %select_n3A_279 = arith.select %and3A_274, %add3A_276, %broadcast_in_dim3A_278 : vector<16xi1>, vector<16xi32>
        %reduce_max3A_280 = arith.constant true
        %reduce_max3A_281 = vector.broadcast %reduce_max3A_280 : i1 to vector<16xi1>
        %reduce_max3A_282 = arith.constant -2147483648 : i32
        %reduce_max3A_283 = vector.broadcast %reduce_max3A_282 : i32 to vector<16xi32>
        %reduce_max3A_284 = arith.xori %select_n3A_279, %reduce_max3A_283 : vector<16xi32>
        %reduce_max3A_285 = tpu.scan <max>, %reduce_max3A_284 masked %reduce_max3A_281 : vector<16xi32>, vector<16xi1> -> vector<16xi32>
        %reduce_max3A_286 = arith.xori %reduce_max3A_285, %reduce_max3A_283 : vector<16xi32>
        %reduce_max3A_287 = vector.extract %reduce_max3A_286[15] : i32 from vector<16xi32>
        %max3A = arith.maxsi %scan3A_166, %reduce_max3A_287 : i32
        %add3A_288 = arith.addi %scan3A_165, %reduce_max3A_262 : i32
        scf.yield %add3A_288, %max3A : i32, i32
      }
      %scan3A_42 = arith.constant 64 : i32
      %shift_left3A = arith.constant 22 : i32
      %shift_left3A_43 = arith.shli %scan3A_41#1, %shift_left3A : i32
      %scan3A_44 = arith.constant 0 : i32
      %scan3A_45 = arith.constant 625 : i32
      %scan3A_46 = arith.addi %scan3A_44, %scan3A_45 : i32
      %scan3A_47 = arith.constant 1 : i32
      %scan3A_48 = scf.for %scan3A_164 = %scan3A_44 to %scan3A_46 step %scan3A_47 iter_args(%scan3A_165 = %broadcast_in_dim3A_4) -> (vector<16xi32>)  : i32 {
        %mul3A_166 = arith.constant 10 : i32
        %mul3A_167 = arith.muli %scan3A_164, %mul3A_166 : i32
        %add3A_168 = arith.constant 0 : i32
        %add3A_169 = arith.addi %mul3A_167, %add3A_168 : i32
        %mul3A_170 = arith.constant 16 : i32
        %mul3A_171 = arith.muli %add3A_169, %mul3A_170 : i32
        %get3A_172 = arith.index_cast %mul3A_171 : i32 to index
        %get3A_173 = tpu.vector_load %arg7[%get3A_172] {strides = array<i32>} : memref<100000xf32, #tpu.memory_space<vmem>>, vector<16xf32>,
        %bitcast_convert_type3A_174 = tpu.bitcast %get3A_173 : vector<16xf32> -> vector<16xi32>
        %ge3A_175 = arith.constant -2147483648 : i32
        %ge3A_176 = vector.broadcast %ge3A_175 : i32 to vector<16xi32>
        %ge3A_177 = arith.cmpi uge, %bitcast_convert_type3A_174, %ge3A_176 : vector<16xi32>
        %xor3A_178 = arith.constant -1 : i32
        %xor3A_179 = vector.broadcast %xor3A_178 : i32 to vector<16xi32>
        %xor3A_180 = arith.xori %bitcast_convert_type3A_174, %xor3A_179 : vector<16xi32>
        %xor3A_181 = arith.constant -2147483648 : i32
        %xor3A_182 = vector.broadcast %xor3A_181 : i32 to vector<16xi32>
        %xor3A_183 = arith.xori %bitcast_convert_type3A_174, %xor3A_182 : vector<16xi32>
        %select_n3A_184 = arith.select %ge3A_177, %xor3A_180, %xor3A_183 : vector<16xi1>, vector<16xi32>
        %ge3A_185 = vector.broadcast %shift_left3A_43 : i32 to vector<16xi32>
        %ge3A_186 = arith.cmpi uge, %select_n3A_184, %ge3A_185 : vector<16xi32>
        %select_n3A_187 = arith.select %ge3A_186, %broadcast_in_dim3A_2, %broadcast_in_dim3A_4 : vector<16xi1>, vector<16xi32>
        %broadcast_in_dim3A_188 = arith.constant true
        %broadcast_in_dim3A_189 = vector.broadcast %broadcast_in_dim3A_188 : i1 to vector<16xi1>
        %masked_cumsum3A = tpu.scan <sum>, %select_n3A_187 masked %broadcast_in_dim3A_189 : vector<16xi32>, vector<16xi1> -> vector<16xi32>
        %add3A_190 = arith.addi %scan3A_165, %masked_cumsum3A : vector<16xi32>
        %sub3A_191 = arith.constant 1 : i32
        %sub3A_192 = vector.broadcast %sub3A_191 : i32 to vector<16xi32>
        %sub3A_193 = arith.subi %add3A_190, %sub3A_192 : vector<16xi32>
        %min3A_194 = arith.constant 8191 : i32
        %min3A_195 = vector.broadcast %min3A_194 : i32 to vector<16xi32>
        %min3A_196 = arith.minsi %sub3A_193, %min3A_195 : vector<16xi32>
        %bitcast3A_197 = vector.bitcast %select_n3A_184 : vector<16xi32> to vector<16xi32>
        tpu.vector_store_idx %arg9[%min3A_196], %bitcast3A_197 masked %ge3A_186 : memref<8192xi32, #tpu.memory_space<vmem>>[vector<16xi32>], vector<16xi32>, vector<16xi1>
        %all_reduce_population_count3A = tpu.all_reduce %ge3A_186 {dim = 0 : i64, kind = #tpu.reduction_kind<sum>} : vector<16xi1> -> vector<16xi32>
        %add3A_198 = arith.addi %scan3A_165, %all_reduce_population_count3A : vector<16xi32>
        %mul3A_199 = arith.constant 10 : i32
        %mul3A_200 = arith.muli %scan3A_164, %mul3A_199 : i32
        %add3A_201 = arith.constant 1 : i32
        %add3A_202 = arith.addi %mul3A_200, %add3A_201 : i32
        %mul3A_203 = arith.constant 16 : i32
        %mul3A_204 = arith.muli %add3A_202, %mul3A_203 : i32
        %get3A_205 = arith.index_cast %mul3A_204 : i32 to index
        %get3A_206 = tpu.vector_load %arg7[%get3A_205] {strides = array<i32>} : memref<100000xf32, #tpu.memory_space<vmem>>, vector<16xf32>,
        %bitcast_convert_type3A_207 = tpu.bitcast %get3A_206 : vector<16xf32> -> vector<16xi32>
        %ge3A_208 = arith.constant -2147483648 : i32
        %ge3A_209 = vector.broadcast %ge3A_208 : i32 to vector<16xi32>
        %ge3A_210 = arith.cmpi uge, %bitcast_convert_type3A_207, %ge3A_209 : vector<16xi32>
        %xor3A_211 = arith.constant -1 : i32
        %xor3A_212 = vector.broadcast %xor3A_211 : i32 to vector<16xi32>
        %xor3A_213 = arith.xori %bitcast_convert_type3A_207, %xor3A_212 : vector<16xi32>
        %xor3A_214 = arith.constant -2147483648 : i32
        %xor3A_215 = vector.broadcast %xor3A_214 : i32 to vector<16xi32>
        %xor3A_216 = arith.xori %bitcast_convert_type3A_207, %xor3A_215 : vector<16xi32>
        %select_n3A_217 = arith.select %ge3A_210, %xor3A_213, %xor3A_216 : vector<16xi1>, vector<16xi32>
        %ge3A_218 = vector.broadcast %shift_left3A_43 : i32 to vector<16xi32>
        %ge3A_219 = arith.cmpi uge, %select_n3A_217, %ge3A_218 : vector<16xi32>
        %select_n3A_220 = arith.select %ge3A_219, %broadcast_in_dim3A_2, %broadcast_in_dim3A_4 : vector<16xi1>, vector<16xi32>
        %broadcast_in_dim3A_221 = arith.constant true
        %broadcast_in_dim3A_222 = vector.broadcast %broadcast_in_dim3A_221 : i1 to vector<16xi1>
        %masked_cumsum3A_223 = tpu.scan <sum>, %select_n3A_220 masked %broadcast_in_dim3A_222 : vector<16xi32>, vector<16xi1> -> vector<16xi32>
        %add3A_224 = arith.addi %add3A_198, %masked_cumsum3A_223 : vector<16xi32>
        %sub3A_225 = arith.constant 1 : i32
        %sub3A_226 = vector.broadcast %sub3A_225 : i32 to vector<16xi32>
        %sub3A_227 = arith.subi %add3A_224, %sub3A_226 : vector<16xi32>
        %min3A_228 = arith.constant 8191 : i32
        %min3A_229 = vector.broadcast %min3A_228 : i32 to vector<16xi32>
        %min3A_230 = arith.minsi %sub3A_227, %min3A_229 : vector<16xi32>
        %bitcast3A_231 = vector.bitcast %select_n3A_217 : vector<16xi32> to vector<16xi32>
        tpu.vector_store_idx %arg9[%min3A_230], %bitcast3A_231 masked %ge3A_219 : memref<8192xi32, #tpu.memory_space<vmem>>[vector<16xi32>], vector<16xi32>, vector<16xi1>
        %all_reduce_population_count3A_232 = tpu.all_reduce %ge3A_219 {dim = 0 : i64, kind = #tpu.reduction_kind<sum>} : vector<16xi1> -> vector<16xi32>
        %add3A_233 = arith.addi %add3A_198, %all_reduce_population_count3A_232 : vector<16xi32>
        %mul3A_234 = arith.constant 10 : i32
        %mul3A_235 = arith.muli %scan3A_164, %mul3A_234 : i32
        %add3A_236 = arith.constant 2 : i32
        %add3A_237 = arith.addi %mul3A_235, %add3A_236 : i32
        %mul3A_238 = arith.constant 16 : i32
        %mul3A_239 = arith.muli %add3A_237, %mul3A_238 : i32
        %get3A_240 = arith.index_cast %mul3A_239 : i32 to index
        %get3A_241 = tpu.vector_load %arg7[%get3A_240] {strides = array<i32>} : memref<100000xf32, #tpu.memory_space<vmem>>, vector<16xf32>,
        %bitcast_convert_type3A_242 = tpu.bitcast %get3A_241 : vector<16xf32> -> vector<16xi32>
        %ge3A_243 = arith.constant -2147483648 : i32
        %ge3A_244 = vector.broadcast %ge3A_243 : i32 to vector<16xi32>
        %ge3A_245 = arith.cmpi uge, %bitcast_convert_type3A_242, %ge3A_244 : vector<16xi32>
        %xor3A_246 = arith.constant -1 : i32
        %xor3A_247 = vector.broadcast %xor3A_246 : i32 to vector<16xi32>
        %xor3A_248 = arith.xori %bitcast_convert_type3A_242, %xor3A_247 : vector<16xi32>
        %xor3A_249 = arith.constant -2147483648 : i32
        %xor3A_250 = vector.broadcast %xor3A_249 : i32 to vector<16xi32>
        %xor3A_251 = arith.xori %bitcast_convert_type3A_242, %xor3A_250 : vector<16xi32>
        %select_n3A_252 = arith.select %ge3A_245, %xor3A_248, %xor3A_251 : vector<16xi1>, vector<16xi32>
        %ge3A_253 = vector.broadcast %shift_left3A_43 : i32 to vector<16xi32>
        %ge3A_254 = arith.cmpi uge, %select_n3A_252, %ge3A_253 : vector<16xi32>
        %select_n3A_255 = arith.select %ge3A_254, %broadcast_in_dim3A_2, %broadcast_in_dim3A_4 : vector<16xi1>, vector<16xi32>
        %broadcast_in_dim3A_256 = arith.constant true
        %broadcast_in_dim3A_257 = vector.broadcast %broadcast_in_dim3A_256 : i1 to vector<16xi1>
        %masked_cumsum3A_258 = tpu.scan <sum>, %select_n3A_255 masked %broadcast_in_dim3A_257 : vector<16xi32>, vector<16xi1> -> vector<16xi32>
        %add3A_259 = arith.addi %add3A_233, %masked_cumsum3A_258 : vector<16xi32>
        %sub3A_260 = arith.constant 1 : i32
        %sub3A_261 = vector.broadcast %sub3A_260 : i32 to vector<16xi32>
        %sub3A_262 = arith.subi %add3A_259, %sub3A_261 : vector<16xi32>
        %min3A_263 = arith.constant 8191 : i32
        %min3A_264 = vector.broadcast %min3A_263 : i32 to vector<16xi32>
        %min3A_265 = arith.minsi %sub3A_262, %min3A_264 : vector<16xi32>
        %bitcast3A_266 = vector.bitcast %select_n3A_252 : vector<16xi32> to vector<16xi32>
        tpu.vector_store_idx %arg9[%min3A_265], %bitcast3A_266 masked %ge3A_254 : memref<8192xi32, #tpu.memory_space<vmem>>[vector<16xi32>], vector<16xi32>, vector<16xi1>
        %all_reduce_population_count3A_267 = tpu.all_reduce %ge3A_254 {dim = 0 : i64, kind = #tpu.reduction_kind<sum>} : vector<16xi1> -> vector<16xi32>
        %add3A_268 = arith.addi %add3A_233, %all_reduce_population_count3A_267 : vector<16xi32>
        %mul3A_269 = arith.constant 10 : i32
        %mul3A_270 = arith.muli %scan3A_164, %mul3A_269 : i32
        %add3A_271 = arith.constant 3 : i32
        %add3A_272 = arith.addi %mul3A_270, %add3A_271 : i32
        %mul3A_273 = arith.constant 16 : i32
        %mul3A_274 = arith.muli %add3A_272, %mul3A_273 : i32
        %get3A_275 = arith.index_cast %mul3A_274 : i32 to index
        %get3A_276 = tpu.vector_load %arg7[%get3A_275] {strides = array<i32>} : memref<100000xf32, #tpu.memory_space<vmem>>, vector<16xf32>,
        %bitcast_convert_type3A_277 = tpu.bitcast %get3A_276 : vector<16xf32> -> vector<16xi32>
        %ge3A_278 = arith.constant -2147483648 : i32
        %ge3A_279 = vector.broadcast %ge3A_278 : i32 to vector<16xi32>
        %ge3A_280 = arith.cmpi uge, %bitcast_convert_type3A_277, %ge3A_279 : vector<16xi32>
        %xor3A_281 = arith.constant -1 : i32
        %xor3A_282 = vector.broadcast %xor3A_281 : i32 to vector<16xi32>
        %xor3A_283 = arith.xori %bitcast_convert_type3A_277, %xor3A_282 : vector<16xi32>
        %xor3A_284 = arith.constant -2147483648 : i32
        %xor3A_285 = vector.broadcast %xor3A_284 : i32 to vector<16xi32>
        %xor3A_286 = arith.xori %bitcast_convert_type3A_277, %xor3A_285 : vector<16xi32>
        %select_n3A_287 = arith.select %ge3A_280, %xor3A_283, %xor3A_286 : vector<16xi1>, vector<16xi32>
        %ge3A_288 = vector.broadcast %shift_left3A_43 : i32 to vector<16xi32>
        %ge3A_289 = arith.cmpi uge, %select_n3A_287, %ge3A_288 : vector<16xi32>
        %select_n3A_290 = arith.select %ge3A_289, %broadcast_in_dim3A_2, %broadcast_in_dim3A_4 : vector<16xi1>, vector<16xi32>
        %broadcast_in_dim3A_291 = arith.constant true
        %broadcast_in_dim3A_292 = vector.broadcast %broadcast_in_dim3A_291 : i1 to vector<16xi1>
        %masked_cumsum3A_293 = tpu.scan <sum>, %select_n3A_290 masked %broadcast_in_dim3A_292 : vector<16xi32>, vector<16xi1> -> vector<16xi32>
        %add3A_294 = arith.addi %add3A_268, %masked_cumsum3A_293 : vector<16xi32>
        %sub3A_295 = arith.constant 1 : i32
        %sub3A_296 = vector.broadcast %sub3A_295 : i32 to vector<16xi32>
        %sub3A_297 = arith.subi %add3A_294, %sub3A_296 : vector<16xi32>
        %min3A_298 = arith.constant 8191 : i32
        %min3A_299 = vector.broadcast %min3A_298 : i32 to vector<16xi32>
        %min3A_300 = arith.minsi %sub3A_297, %min3A_299 : vector<16xi32>
        %bitcast3A_301 = vector.bitcast %select_n3A_287 : vector<16xi32> to vector<16xi32>
        tpu.vector_store_idx %arg9[%min3A_300], %bitcast3A_301 masked %ge3A_289 : memref<8192xi32, #tpu.memory_space<vmem>>[vector<16xi32>], vector<16xi32>, vector<16xi1>
        %all_reduce_population_count3A_302 = tpu.all_reduce %ge3A_289 {dim = 0 : i64, kind = #tpu.reduction_kind<sum>} : vector<16xi1> -> vector<16xi32>
        %add3A_303 = arith.addi %add3A_268, %all_reduce_population_count3A_302 : vector<16xi32>
        %mul3A_304 = arith.constant 10 : i32
        %mul3A_305 = arith.muli %scan3A_164, %mul3A_304 : i32
        %add3A_306 = arith.constant 4 : i32
        %add3A_307 = arith.addi %mul3A_305, %add3A_306 : i32
        %mul3A_308 = arith.constant 16 : i32
        %mul3A_309 = arith.muli %add3A_307, %mul3A_308 : i32
        %get3A_310 = arith.index_cast %mul3A_309 : i32 to index
        %get3A_311 = tpu.vector_load %arg7[%get3A_310] {strides = array<i32>} : memref<100000xf32, #tpu.memory_space<vmem>>, vector<16xf32>,
        %bitcast_convert_type3A_312 = tpu.bitcast %get3A_311 : vector<16xf32> -> vector<16xi32>
        %ge3A_313 = arith.constant -2147483648 : i32
        %ge3A_314 = vector.broadcast %ge3A_313 : i32 to vector<16xi32>
        %ge3A_315 = arith.cmpi uge, %bitcast_convert_type3A_312, %ge3A_314 : vector<16xi32>
        %xor3A_316 = arith.constant -1 : i32
        %xor3A_317 = vector.broadcast %xor3A_316 : i32 to vector<16xi32>
        %xor3A_318 = arith.xori %bitcast_convert_type3A_312, %xor3A_317 : vector<16xi32>
        %xor3A_319 = arith.constant -2147483648 : i32
        %xor3A_320 = vector.broadcast %xor3A_319 : i32 to vector<16xi32>
        %xor3A_321 = arith.xori %bitcast_convert_type3A_312, %xor3A_320 : vector<16xi32>
        %select_n3A_322 = arith.select %ge3A_315, %xor3A_318, %xor3A_321 : vector<16xi1>, vector<16xi32>
        %ge3A_323 = vector.broadcast %shift_left3A_43 : i32 to vector<16xi32>
        %ge3A_324 = arith.cmpi uge, %select_n3A_322, %ge3A_323 : vector<16xi32>
        %select_n3A_325 = arith.select %ge3A_324, %broadcast_in_dim3A_2, %broadcast_in_dim3A_4 : vector<16xi1>, vector<16xi32>
        %broadcast_in_dim3A_326 = arith.constant true
        %broadcast_in_dim3A_327 = vector.broadcast %broadcast_in_dim3A_326 : i1 to vector<16xi1>
        %masked_cumsum3A_328 = tpu.scan <sum>, %select_n3A_325 masked %broadcast_in_dim3A_327 : vector<16xi32>, vector<16xi1> -> vector<16xi32>
        %add3A_329 = arith.addi %add3A_303, %masked_cumsum3A_328 : vector<16xi32>
        %sub3A_330 = arith.constant 1 : i32
        %sub3A_331 = vector.broadcast %sub3A_330 : i32 to vector<16xi32>
        %sub3A_332 = arith.subi %add3A_329, %sub3A_331 : vector<16xi32>
        %min3A_333 = arith.constant 8191 : i32
        %min3A_334 = vector.broadcast %min3A_333 : i32 to vector<16xi32>
        %min3A_335 = arith.minsi %sub3A_332, %min3A_334 : vector<16xi32>
        %bitcast3A_336 = vector.bitcast %select_n3A_322 : vector<16xi32> to vector<16xi32>
        tpu.vector_store_idx %arg9[%min3A_335], %bitcast3A_336 masked %ge3A_324 : memref<8192xi32, #tpu.memory_space<vmem>>[vector<16xi32>], vector<16xi32>, vector<16xi1>
        %all_reduce_population_count3A_337 = tpu.all_reduce %ge3A_324 {dim = 0 : i64, kind = #tpu.reduction_kind<sum>} : vector<16xi1> -> vector<16xi32>
        %add3A_338 = arith.addi %add3A_303, %all_reduce_population_count3A_337 : vector<16xi32>
        %mul3A_339 = arith.constant 10 : i32
        %mul3A_340 = arith.muli %scan3A_164, %mul3A_339 : i32
        %add3A_341 = arith.constant 5 : i32
        %add3A_342 = arith.addi %mul3A_340, %add3A_341 : i32
        %mul3A_343 = arith.constant 16 : i32
        %mul3A_344 = arith.muli %add3A_342, %mul3A_343 : i32
        %get3A_345 = arith.index_cast %mul3A_344 : i32 to index
        %get3A_346 = tpu.vector_load %arg7[%get3A_345] {strides = array<i32>} : memref<100000xf32, #tpu.memory_space<vmem>>, vector<16xf32>,
        %bitcast_convert_type3A_347 = tpu.bitcast %get3A_346 : vector<16xf32> -> vector<16xi32>
        %ge3A_348 = arith.constant -2147483648 : i32
        %ge3A_349 = vector.broadcast %ge3A_348 : i32 to vector<16xi32>
        %ge3A_350 = arith.cmpi uge, %bitcast_convert_type3A_347, %ge3A_349 : vector<16xi32>
        %xor3A_351 = arith.constant -1 : i32
        %xor3A_352 = vector.broadcast %xor3A_351 : i32 to vector<16xi32>
        %xor3A_353 = arith.xori %bitcast_convert_type3A_347, %xor3A_352 : vector<16xi32>
        %xor3A_354 = arith.constant -2147483648 : i32
        %xor3A_355 = vector.broadcast %xor3A_354 : i32 to vector<16xi32>
        %xor3A_356 = arith.xori %bitcast_convert_type3A_347, %xor3A_355 : vector<16xi32>
        %select_n3A_357 = arith.select %ge3A_350, %xor3A_353, %xor3A_356 : vector<16xi1>, vector<16xi32>
        %ge3A_358 = vector.broadcast %shift_left3A_43 : i32 to vector<16xi32>
        %ge3A_359 = arith.cmpi uge, %select_n3A_357, %ge3A_358 : vector<16xi32>
        %select_n3A_360 = arith.select %ge3A_359, %broadcast_in_dim3A_2, %broadcast_in_dim3A_4 : vector<16xi1>, vector<16xi32>
        %broadcast_in_dim3A_361 = arith.constant true
        %broadcast_in_dim3A_362 = vector.broadcast %broadcast_in_dim3A_361 : i1 to vector<16xi1>
        %masked_cumsum3A_363 = tpu.scan <sum>, %select_n3A_360 masked %broadcast_in_dim3A_362 : vector<16xi32>, vector<16xi1> -> vector<16xi32>
        %add3A_364 = arith.addi %add3A_338, %masked_cumsum3A_363 : vector<16xi32>
        %sub3A_365 = arith.constant 1 : i32
        %sub3A_366 = vector.broadcast %sub3A_365 : i32 to vector<16xi32>
        %sub3A_367 = arith.subi %add3A_364, %sub3A_366 : vector<16xi32>
        %min3A_368 = arith.constant 8191 : i32
        %min3A_369 = vector.broadcast %min3A_368 : i32 to vector<16xi32>
        %min3A_370 = arith.minsi %sub3A_367, %min3A_369 : vector<16xi32>
        %bitcast3A_371 = vector.bitcast %select_n3A_357 : vector<16xi32> to vector<16xi32>
        tpu.vector_store_idx %arg9[%min3A_370], %bitcast3A_371 masked %ge3A_359 : memref<8192xi32, #tpu.memory_space<vmem>>[vector<16xi32>], vector<16xi32>, vector<16xi1>
        %all_reduce_population_count3A_372 = tpu.all_reduce %ge3A_359 {dim = 0 : i64, kind = #tpu.reduction_kind<sum>} : vector<16xi1> -> vector<16xi32>
        %add3A_373 = arith.addi %add3A_338, %all_reduce_population_count3A_372 : vector<16xi32>
        %mul3A_374 = arith.constant 10 : i32
        %mul3A_375 = arith.muli %scan3A_164, %mul3A_374 : i32
        %add3A_376 = arith.constant 6 : i32
        %add3A_377 = arith.addi %mul3A_375, %add3A_376 : i32
        %mul3A_378 = arith.constant 16 : i32
        %mul3A_379 = arith.muli %add3A_377, %mul3A_378 : i32
        %get3A_380 = arith.index_cast %mul3A_379 : i32 to index
        %get3A_381 = tpu.vector_load %arg7[%get3A_380] {strides = array<i32>} : memref<100000xf32, #tpu.memory_space<vmem>>, vector<16xf32>,
        %bitcast_convert_type3A_382 = tpu.bitcast %get3A_381 : vector<16xf32> -> vector<16xi32>
        %ge3A_383 = arith.constant -2147483648 : i32
        %ge3A_384 = vector.broadcast %ge3A_383 : i32 to vector<16xi32>
        %ge3A_385 = arith.cmpi uge, %bitcast_convert_type3A_382, %ge3A_384 : vector<16xi32>
        %xor3A_386 = arith.constant -1 : i32
        %xor3A_387 = vector.broadcast %xor3A_386 : i32 to vector<16xi32>
        %xor3A_388 = arith.xori %bitcast_convert_type3A_382, %xor3A_387 : vector<16xi32>
        %xor3A_389 = arith.constant -2147483648 : i32
        %xor3A_390 = vector.broadcast %xor3A_389 : i32 to vector<16xi32>
        %xor3A_391 = arith.xori %bitcast_convert_type3A_382, %xor3A_390 : vector<16xi32>
        %select_n3A_392 = arith.select %ge3A_385, %xor3A_388, %xor3A_391 : vector<16xi1>, vector<16xi32>
        %ge3A_393 = vector.broadcast %shift_left3A_43 : i32 to vector<16xi32>
        %ge3A_394 = arith.cmpi uge, %select_n3A_392, %ge3A_393 : vector<16xi32>
        %select_n3A_395 = arith.select %ge3A_394, %broadcast_in_dim3A_2, %broadcast_in_dim3A_4 : vector<16xi1>, vector<16xi32>
        %broadcast_in_dim3A_396 = arith.constant true
        %broadcast_in_dim3A_397 = vector.broadcast %broadcast_in_dim3A_396 : i1 to vector<16xi1>
        %masked_cumsum3A_398 = tpu.scan <sum>, %select_n3A_395 masked %broadcast_in_dim3A_397 : vector<16xi32>, vector<16xi1> -> vector<16xi32>
        %add3A_399 = arith.addi %add3A_373, %masked_cumsum3A_398 : vector<16xi32>
        %sub3A_400 = arith.constant 1 : i32
        %sub3A_401 = vector.broadcast %sub3A_400 : i32 to vector<16xi32>
        %sub3A_402 = arith.subi %add3A_399, %sub3A_401 : vector<16xi32>
        %min3A_403 = arith.constant 8191 : i32
        %min3A_404 = vector.broadcast %min3A_403 : i32 to vector<16xi32>
        %min3A_405 = arith.minsi %sub3A_402, %min3A_404 : vector<16xi32>
        %bitcast3A_406 = vector.bitcast %select_n3A_392 : vector<16xi32> to vector<16xi32>
        tpu.vector_store_idx %arg9[%min3A_405], %bitcast3A_406 masked %ge3A_394 : memref<8192xi32, #tpu.memory_space<vmem>>[vector<16xi32>], vector<16xi32>, vector<16xi1>
        %all_reduce_population_count3A_407 = tpu.all_reduce %ge3A_394 {dim = 0 : i64, kind = #tpu.reduction_kind<sum>} : vector<16xi1> -> vector<16xi32>
        %add3A_408 = arith.addi %add3A_373, %all_reduce_population_count3A_407 : vector<16xi32>
        %mul3A_409 = arith.constant 10 : i32
        %mul3A_410 = arith.muli %scan3A_164, %mul3A_409 : i32
        %add3A_411 = arith.constant 7 : i32
        %add3A_412 = arith.addi %mul3A_410, %add3A_411 : i32
        %mul3A_413 = arith.constant 16 : i32
        %mul3A_414 = arith.muli %add3A_412, %mul3A_413 : i32
        %get3A_415 = arith.index_cast %mul3A_414 : i32 to index
        %get3A_416 = tpu.vector_load %arg7[%get3A_415] {strides = array<i32>} : memref<100000xf32, #tpu.memory_space<vmem>>, vector<16xf32>,
        %bitcast_convert_type3A_417 = tpu.bitcast %get3A_416 : vector<16xf32> -> vector<16xi32>
        %ge3A_418 = arith.constant -2147483648 : i32
        %ge3A_419 = vector.broadcast %ge3A_418 : i32 to vector<16xi32>
        %ge3A_420 = arith.cmpi uge, %bitcast_convert_type3A_417, %ge3A_419 : vector<16xi32>
        %xor3A_421 = arith.constant -1 : i32
        %xor3A_422 = vector.broadcast %xor3A_421 : i32 to vector<16xi32>
        %xor3A_423 = arith.xori %bitcast_convert_type3A_417, %xor3A_422 : vector<16xi32>
        %xor3A_424 = arith.constant -2147483648 : i32
        %xor3A_425 = vector.broadcast %xor3A_424 : i32 to vector<16xi32>
        %xor3A_426 = arith.xori %bitcast_convert_type3A_417, %xor3A_425 : vector<16xi32>
        %select_n3A_427 = arith.select %ge3A_420, %xor3A_423, %xor3A_426 : vector<16xi1>, vector<16xi32>
        %ge3A_428 = vector.broadcast %shift_left3A_43 : i32 to vector<16xi32>
        %ge3A_429 = arith.cmpi uge, %select_n3A_427, %ge3A_428 : vector<16xi32>
        %select_n3A_430 = arith.select %ge3A_429, %broadcast_in_dim3A_2, %broadcast_in_dim3A_4 : vector<16xi1>, vector<16xi32>
        %broadcast_in_dim3A_431 = arith.constant true
        %broadcast_in_dim3A_432 = vector.broadcast %broadcast_in_dim3A_431 : i1 to vector<16xi1>
        %masked_cumsum3A_433 = tpu.scan <sum>, %select_n3A_430 masked %broadcast_in_dim3A_432 : vector<16xi32>, vector<16xi1> -> vector<16xi32>
        %add3A_434 = arith.addi %add3A_408, %masked_cumsum3A_433 : vector<16xi32>
        %sub3A_435 = arith.constant 1 : i32
        %sub3A_436 = vector.broadcast %sub3A_435 : i32 to vector<16xi32>
        %sub3A_437 = arith.subi %add3A_434, %sub3A_436 : vector<16xi32>
        %min3A_438 = arith.constant 8191 : i32
        %min3A_439 = vector.broadcast %min3A_438 : i32 to vector<16xi32>
        %min3A_440 = arith.minsi %sub3A_437, %min3A_439 : vector<16xi32>
        %bitcast3A_441 = vector.bitcast %select_n3A_427 : vector<16xi32> to vector<16xi32>
        tpu.vector_store_idx %arg9[%min3A_440], %bitcast3A_441 masked %ge3A_429 : memref<8192xi32, #tpu.memory_space<vmem>>[vector<16xi32>], vector<16xi32>, vector<16xi1>
        %all_reduce_population_count3A_442 = tpu.all_reduce %ge3A_429 {dim = 0 : i64, kind = #tpu.reduction_kind<sum>} : vector<16xi1> -> vector<16xi32>
        %add3A_443 = arith.addi %add3A_408, %all_reduce_population_count3A_442 : vector<16xi32>
        %mul3A_444 = arith.constant 10 : i32
        %mul3A_445 = arith.muli %scan3A_164, %mul3A_444 : i32
        %add3A_446 = arith.constant 8 : i32
        %add3A_447 = arith.addi %mul3A_445, %add3A_446 : i32
        %mul3A_448 = arith.constant 16 : i32
        %mul3A_449 = arith.muli %add3A_447, %mul3A_448 : i32
        %get3A_450 = arith.index_cast %mul3A_449 : i32 to index
        %get3A_451 = tpu.vector_load %arg7[%get3A_450] {strides = array<i32>} : memref<100000xf32, #tpu.memory_space<vmem>>, vector<16xf32>,
        %bitcast_convert_type3A_452 = tpu.bitcast %get3A_451 : vector<16xf32> -> vector<16xi32>
        %ge3A_453 = arith.constant -2147483648 : i32
        %ge3A_454 = vector.broadcast %ge3A_453 : i32 to vector<16xi32>
        %ge3A_455 = arith.cmpi uge, %bitcast_convert_type3A_452, %ge3A_454 : vector<16xi32>
        %xor3A_456 = arith.constant -1 : i32
        %xor3A_457 = vector.broadcast %xor3A_456 : i32 to vector<16xi32>
        %xor3A_458 = arith.xori %bitcast_convert_type3A_452, %xor3A_457 : vector<16xi32>
        %xor3A_459 = arith.constant -2147483648 : i32
        %xor3A_460 = vector.broadcast %xor3A_459 : i32 to vector<16xi32>
        %xor3A_461 = arith.xori %bitcast_convert_type3A_452, %xor3A_460 : vector<16xi32>
        %select_n3A_462 = arith.select %ge3A_455, %xor3A_458, %xor3A_461 : vector<16xi1>, vector<16xi32>
        %ge3A_463 = vector.broadcast %shift_left3A_43 : i32 to vector<16xi32>
        %ge3A_464 = arith.cmpi uge, %select_n3A_462, %ge3A_463 : vector<16xi32>
        %select_n3A_465 = arith.select %ge3A_464, %broadcast_in_dim3A_2, %broadcast_in_dim3A_4 : vector<16xi1>, vector<16xi32>
        %broadcast_in_dim3A_466 = arith.constant true
        %broadcast_in_dim3A_467 = vector.broadcast %broadcast_in_dim3A_466 : i1 to vector<16xi1>
        %masked_cumsum3A_468 = tpu.scan <sum>, %select_n3A_465 masked %broadcast_in_dim3A_467 : vector<16xi32>, vector<16xi1> -> vector<16xi32>
        %add3A_469 = arith.addi %add3A_443, %masked_cumsum3A_468 : vector<16xi32>
        %sub3A_470 = arith.constant 1 : i32
        %sub3A_471 = vector.broadcast %sub3A_470 : i32 to vector<16xi32>
        %sub3A_472 = arith.subi %add3A_469, %sub3A_471 : vector<16xi32>
        %min3A_473 = arith.constant 8191 : i32
        %min3A_474 = vector.broadcast %min3A_473 : i32 to vector<16xi32>
        %min3A_475 = arith.minsi %sub3A_472, %min3A_474 : vector<16xi32>
        %bitcast3A_476 = vector.bitcast %select_n3A_462 : vector<16xi32> to vector<16xi32>
        tpu.vector_store_idx %arg9[%min3A_475], %bitcast3A_476 masked %ge3A_464 : memref<8192xi32, #tpu.memory_space<vmem>>[vector<16xi32>], vector<16xi32>, vector<16xi1>
        %all_reduce_population_count3A_477 = tpu.all_reduce %ge3A_464 {dim = 0 : i64, kind = #tpu.reduction_kind<sum>} : vector<16xi1> -> vector<16xi32>
        %add3A_478 = arith.addi %add3A_443, %all_reduce_population_count3A_477 : vector<16xi32>
        %mul3A_479 = arith.constant 10 : i32
        %mul3A_480 = arith.muli %scan3A_164, %mul3A_479 : i32
        %add3A_481 = arith.constant 9 : i32
        %add3A_482 = arith.addi %mul3A_480, %add3A_481 : i32
        %mul3A_483 = arith.constant 16 : i32
        %mul3A_484 = arith.muli %add3A_482, %mul3A_483 : i32
        %get3A_485 = arith.index_cast %mul3A_484 : i32 to index
        %get3A_486 = tpu.vector_load %arg7[%get3A_485] {strides = array<i32>} : memref<100000xf32, #tpu.memory_space<vmem>>, vector<16xf32>,
        %bitcast_convert_type3A_487 = tpu.bitcast %get3A_486 : vector<16xf32> -> vector<16xi32>
        %ge3A_488 = arith.constant -2147483648 : i32
        %ge3A_489 = vector.broadcast %ge3A_488 : i32 to vector<16xi32>
        %ge3A_490 = arith.cmpi uge, %bitcast_convert_type3A_487, %ge3A_489 : vector<16xi32>
        %xor3A_491 = arith.constant -1 : i32
        %xor3A_492 = vector.broadcast %xor3A_491 : i32 to vector<16xi32>
        %xor3A_493 = arith.xori %bitcast_convert_type3A_487, %xor3A_492 : vector<16xi32>
        %xor3A_494 = arith.constant -2147483648 : i32
        %xor3A_495 = vector.broadcast %xor3A_494 : i32 to vector<16xi32>
        %xor3A_496 = arith.xori %bitcast_convert_type3A_487, %xor3A_495 : vector<16xi32>
        %select_n3A_497 = arith.select %ge3A_490, %xor3A_493, %xor3A_496 : vector<16xi1>, vector<16xi32>
        %ge3A_498 = vector.broadcast %shift_left3A_43 : i32 to vector<16xi32>
        %ge3A_499 = arith.cmpi uge, %select_n3A_497, %ge3A_498 : vector<16xi32>
        %select_n3A_500 = arith.select %ge3A_499, %broadcast_in_dim3A_2, %broadcast_in_dim3A_4 : vector<16xi1>, vector<16xi32>
        %broadcast_in_dim3A_501 = arith.constant true
        %broadcast_in_dim3A_502 = vector.broadcast %broadcast_in_dim3A_501 : i1 to vector<16xi1>
        %masked_cumsum3A_503 = tpu.scan <sum>, %select_n3A_500 masked %broadcast_in_dim3A_502 : vector<16xi32>, vector<16xi1> -> vector<16xi32>
        %add3A_504 = arith.addi %add3A_478, %masked_cumsum3A_503 : vector<16xi32>
        %sub3A_505 = arith.constant 1 : i32
        %sub3A_506 = vector.broadcast %sub3A_505 : i32 to vector<16xi32>
        %sub3A_507 = arith.subi %add3A_504, %sub3A_506 : vector<16xi32>
        %min3A_508 = arith.constant 8191 : i32
        %min3A_509 = vector.broadcast %min3A_508 : i32 to vector<16xi32>
        %min3A_510 = arith.minsi %sub3A_507, %min3A_509 : vector<16xi32>
        %bitcast3A_511 = vector.bitcast %select_n3A_497 : vector<16xi32> to vector<16xi32>
        tpu.vector_store_idx %arg9[%min3A_510], %bitcast3A_511 masked %ge3A_499 : memref<8192xi32, #tpu.memory_space<vmem>>[vector<16xi32>], vector<16xi32>, vector<16xi1>
        %all_reduce_population_count3A_512 = tpu.all_reduce %ge3A_499 {dim = 0 : i64, kind = #tpu.reduction_kind<sum>} : vector<16xi1> -> vector<16xi32>
        %add3A_513 = arith.addi %add3A_478, %all_reduce_population_count3A_512 : vector<16xi32>
        scf.yield %add3A_513 : vector<16xi32>
      }
      %scan3A_49 = arith.constant 625 : i32
      %reduce_max3A_50 = arith.constant true
      %reduce_max3A_51 = vector.broadcast %reduce_max3A_50 : i1 to vector<16xi1>
      %reduce_max3A_52 = arith.constant -2147483648 : i32
      %reduce_max3A_53 = vector.broadcast %reduce_max3A_52 : i32 to vector<16xi32>
      %reduce_max3A_54 = arith.xori %scan3A_48, %reduce_max3A_53 : vector<16xi32>
      %reduce_max3A_55 = tpu.scan <max>, %reduce_max3A_54 masked %reduce_max3A_51 : vector<16xi32>, vector<16xi1> -> vector<16xi32>
      %reduce_max3A_56 = arith.xori %reduce_max3A_55, %reduce_max3A_53 : vector<16xi32>
      %reduce_max3A_57 = vector.extract %reduce_max3A_56[15] : i32 from vector<16xi32>
      %min3A = arith.constant 8192 : i32
      %min3A_58 = arith.minsi %reduce_max3A_57, %min3A : i32
      %add3A_59 = arith.constant 15 : i32
      %add3A_60 = arith.addi %min3A_58, %add3A_59 : i32
      %jit3A = arith.constant 16 : i32
      %div3A = arith.divsi %add3A_60, %jit3A : i32
      %sign3A = arith.constant 0 : i32
      %sign3A_61 = arith.cmpi sgt, %add3A_60, %sign3A : i32
      %sign3A_62 = arith.extui %sign3A_61 : i1 to i32
      %sign3A_63 = arith.constant 0 : i32
      %sign3A_64 = arith.cmpi slt, %add3A_60, %sign3A_63 : i32
      %sign3A_65 = arith.extui %sign3A_64 : i1 to i32
      %sign3A_66 = arith.subi %sign3A_62, %sign3A_65 : i32
      %sign3A_67 = arith.constant 0 : i32
      %sign3A_68 = arith.cmpi sgt, %jit3A, %sign3A_67 : i32
      %sign3A_69 = arith.extui %sign3A_68 : i1 to i32
      %sign3A_70 = arith.constant 0 : i32
      %sign3A_71 = arith.cmpi slt, %jit3A, %sign3A_70 : i32
      %sign3A_72 = arith.extui %sign3A_71 : i1 to i32
      %sign3A_73 = arith.subi %sign3A_69, %sign3A_72 : i32
      %ne3A = arith.cmpi ne, %sign3A_66, %sign3A_73 : i32
      %rem3A = arith.remsi %add3A_60, %jit3A : i32
      %ne3A_74 = arith.constant 0 : i32
      %ne3A_75 = arith.cmpi ne, %rem3A, %ne3A_74 : i32
      %and3A = arith.andi %ne3A, %ne3A_75 : i1
      %sub3A = arith.constant 1 : i32
      %sub3A_76 = arith.subi %div3A, %sub3A : i32
      %select_n3A = arith.select %and3A, %sub3A_76, %div3A : i32
      %scan3A_77 = arith.constant 0 : i32
      %scan3A_78 = arith.constant 22 : i32
      %scan3A_79 = arith.addi %scan3A_77, %scan3A_78 : i32
      %scan3A_80 = arith.constant 1 : i32
      %scan3A_81 = scf.for %scan3A_164 = %scan3A_77 to %scan3A_79 step %scan3A_80 iter_args(%scan3A_165 = %shift_left3A_43) -> (i32)  : i32 {
        %sub3A_166 = arith.constant 21 : i32
        %sub3A_167 = arith.subi %sub3A_166, %scan3A_164 : i32
        %shift_left3A_168 = arith.constant 1 : i32
        %shift_left3A_169 = arith.shli %shift_left3A_168, %sub3A_167 : i32
        %or3A = arith.ori %scan3A_165, %shift_left3A_169 : i32
        %while3A_170 = arith.constant 0 : i32
        %while3A_171 = arith.subi %select_n3A, %while3A_170 : i32
        %while3A_172 = arith.addi %while3A_170, %while3A_171 : i32
        %while3A_173 = arith.constant 1 : i32
        %while3A_174 = arith.divsi %while3A_171, %while3A_173 : i32
        %while3A_175 = arith.muli %while3A_174, %while3A_173 : i32
        %while3A_176 = arith.addi %while3A_170, %while3A_175 : i32
        %while3A_177 = arith.constant 1 : i32
        %while3A_178 = scf.for %while3A_188 = %while3A_170 to %while3A_176 step %while3A_177 iter_args(%while3A_189 = %broadcast_in_dim3A_4) -> (vector<16xi32>)  : i32 {
          %mul3A_190 = arith.constant 16 : i32
          %mul3A_191 = arith.muli %while3A_188, %mul3A_190 : i32
          %get3A_192 = arith.index_cast %mul3A_191 : i32 to index
          %get3A_193 = tpu.vector_load %arg9[%get3A_192] {strides = array<i32>} : memref<8192xi32, #tpu.memory_space<vmem>>, vector<16xi32>,
          %bitcast3A_194 = vector.bitcast %get3A_193 : vector<16xi32> to vector<16xi32>
          %mul3A_195 = arith.constant 16 : i32
          %mul3A_196 = arith.muli %while3A_188, %mul3A_195 : i32
          %add3A_197 = vector.broadcast %mul3A_196 : i32 to vector<16xi32>
          %add3A_198 = arith.addi %add3A_197, %iota3A : vector<16xi32>
          %lt3A_199 = vector.broadcast %min3A_58 : i32 to vector<16xi32>
          %lt3A_200 = arith.cmpi slt, %add3A_198, %lt3A_199 : vector<16xi32>
          %ge3A_201 = vector.broadcast %or3A : i32 to vector<16xi32>
          %ge3A_202 = arith.cmpi uge, %bitcast3A_194, %ge3A_201 : vector<16xi32>
          %and3A_203 = arith.andi %lt3A_200, %ge3A_202 : vector<16xi1>
          %select_n3A_204 = arith.select %and3A_203, %broadcast_in_dim3A_2, %broadcast_in_dim3A_4 : vector<16xi1>, vector<16xi32>
          %add3A_205 = arith.addi %while3A_189, %select_n3A_204 : vector<16xi32>
          scf.yield %add3A_205 : vector<16xi32>
        }
        %while3A_179 = arith.constant 1 : i32
        %while3A_180 = scf.for %while3A_188 = %while3A_176 to %while3A_172 step %while3A_179 iter_args(%while3A_189 = %while3A_178) -> (vector<16xi32>)  : i32 {
          %mul3A_190 = arith.constant 16 : i32
          %mul3A_191 = arith.muli %while3A_188, %mul3A_190 : i32
          %get3A_192 = arith.index_cast %mul3A_191 : i32 to index
          %get3A_193 = tpu.vector_load %arg9[%get3A_192] {strides = array<i32>} : memref<8192xi32, #tpu.memory_space<vmem>>, vector<16xi32>,
          %bitcast3A_194 = vector.bitcast %get3A_193 : vector<16xi32> to vector<16xi32>
          %mul3A_195 = arith.constant 16 : i32
          %mul3A_196 = arith.muli %while3A_188, %mul3A_195 : i32
          %add3A_197 = vector.broadcast %mul3A_196 : i32 to vector<16xi32>
          %add3A_198 = arith.addi %add3A_197, %iota3A : vector<16xi32>
          %lt3A_199 = vector.broadcast %min3A_58 : i32 to vector<16xi32>
          %lt3A_200 = arith.cmpi slt, %add3A_198, %lt3A_199 : vector<16xi32>
          %ge3A_201 = vector.broadcast %or3A : i32 to vector<16xi32>
          %ge3A_202 = arith.cmpi uge, %bitcast3A_194, %ge3A_201 : vector<16xi32>
          %and3A_203 = arith.andi %lt3A_200, %ge3A_202 : vector<16xi1>
          %select_n3A_204 = arith.select %and3A_203, %broadcast_in_dim3A_2, %broadcast_in_dim3A_4 : vector<16xi1>, vector<16xi32>
          %add3A_205 = arith.addi %while3A_189, %select_n3A_204 : vector<16xi32>
          scf.yield %add3A_205 : vector<16xi32>
        }
        %reduce_sum3A_181 = arith.constant true
        %reduce_sum3A_182 = vector.broadcast %reduce_sum3A_181 : i1 to vector<16xi1>
        %reduce_sum3A_183 = tpu.scan <sum>, %while3A_180 masked %reduce_sum3A_182 : vector<16xi32>, vector<16xi1> -> vector<16xi32>
        %reduce_sum3A_184 = vector.extract %reduce_sum3A_183[15] : i32 from vector<16xi32>
        %ge3A_185 = arith.constant 128 : i32
        %ge3A_186 = arith.cmpi sge, %reduce_sum3A_184, %ge3A_185 : i32
        %select_n3A_187 = arith.select %ge3A_186, %or3A, %scan3A_165 : i32
        scf.yield %select_n3A_187 : i32
      }
      %scan3A_82 = arith.constant 22 : i32
      %broadcast_in_dim3A_83 = arith.constant 0.000000e+00 : f32
      %broadcast_in_dim3A_84 = vector.broadcast %broadcast_in_dim3A_83 : f32 to vector<16xf32>
      %while3A = arith.constant 0 : i32
      %while3A_85 = arith.subi %select_n3A, %while3A : i32
      %while3A_86 = arith.addi %while3A, %while3A_85 : i32
      %while3A_87 = arith.constant 1 : i32
      %while3A_88 = arith.divsi %while3A_85, %while3A_87 : i32
      %while3A_89 = arith.muli %while3A_88, %while3A_87 : i32
      %while3A_90 = arith.addi %while3A, %while3A_89 : i32
      %while3A_91 = arith.constant 1 : i32
      %while3A_92 = scf.for %while3A_164 = %while3A to %while3A_90 step %while3A_91 iter_args(%while3A_165 = %broadcast_in_dim3A_84) -> (vector<16xf32>)  : i32 {
        %mul3A_166 = arith.constant 16 : i32
        %mul3A_167 = arith.muli %while3A_164, %mul3A_166 : i32
        %get3A_168 = arith.index_cast %mul3A_167 : i32 to index
        %get3A_169 = tpu.vector_load %arg9[%get3A_168] {strides = array<i32>} : memref<8192xi32, #tpu.memory_space<vmem>>, vector<16xi32>,
        %bitcast3A_170 = vector.bitcast %get3A_169 : vector<16xi32> to vector<16xi32>
        %mul3A_171 = arith.constant 16 : i32
        %mul3A_172 = arith.muli %while3A_164, %mul3A_171 : i32
        %add3A_173 = vector.broadcast %mul3A_172 : i32 to vector<16xi32>
        %add3A_174 = arith.addi %add3A_173, %iota3A : vector<16xi32>
        %lt3A_175 = vector.broadcast %min3A_58 : i32 to vector<16xi32>
        %lt3A_176 = arith.cmpi slt, %add3A_174, %lt3A_175 : vector<16xi32>
        %ge3A_177 = vector.broadcast %scan3A_81 : i32 to vector<16xi32>
        %ge3A_178 = arith.cmpi uge, %bitcast3A_170, %ge3A_177 : vector<16xi32>
        %and3A_179 = arith.andi %lt3A_176, %ge3A_178 : vector<16xi1>
        %lt3A_180 = arith.constant -2147483648 : i32
        %lt3A_181 = vector.broadcast %lt3A_180 : i32 to vector<16xi32>
        %lt3A_182 = arith.cmpi ult, %bitcast3A_170, %lt3A_181 : vector<16xi32>
        %xor3A_183 = arith.constant -1 : i32
        %xor3A_184 = vector.broadcast %xor3A_183 : i32 to vector<16xi32>
        %xor3A_185 = arith.xori %bitcast3A_170, %xor3A_184 : vector<16xi32>
        %xor3A_186 = arith.constant -2147483648 : i32
        %xor3A_187 = vector.broadcast %xor3A_186 : i32 to vector<16xi32>
        %xor3A_188 = arith.xori %bitcast3A_170, %xor3A_187 : vector<16xi32>
        %select_n3A_189 = arith.select %lt3A_182, %xor3A_185, %xor3A_188 : vector<16xi1>, vector<16xi32>
        %bitcast_convert_type3A_190 = tpu.bitcast %select_n3A_189 : vector<16xi32> -> vector<16xf32>
        %sub3A_191 = vector.broadcast %reduce_max3A_34 : f32 to vector<16xf32>
        %sub3A_192 = arith.subf %bitcast_convert_type3A_190, %sub3A_191 : vector<16xf32>
        %exp3A_193 = math.exp %sub3A_192 : vector<16xf32>
        %broadcast_in_dim3A_194 = arith.constant 0.000000e+00 : f32
        %broadcast_in_dim3A_195 = vector.broadcast %broadcast_in_dim3A_194 : f32 to vector<16xf32>
        %select_n3A_196 = arith.select %and3A_179, %exp3A_193, %broadcast_in_dim3A_195 : vector<16xi1>, vector<16xf32>
        %add3A_197 = arith.addf %while3A_165, %select_n3A_196 : vector<16xf32>
        scf.yield %add3A_197 : vector<16xf32>
      }
      %while3A_93 = arith.constant 1 : i32
      %while3A_94 = scf.for %while3A_164 = %while3A_90 to %while3A_86 step %while3A_93 iter_args(%while3A_165 = %while3A_92) -> (vector<16xf32>)  : i32 {
        %mul3A_166 = arith.constant 16 : i32
        %mul3A_167 = arith.muli %while3A_164, %mul3A_166 : i32
        %get3A_168 = arith.index_cast %mul3A_167 : i32 to index
        %get3A_169 = tpu.vector_load %arg9[%get3A_168] {strides = array<i32>} : memref<8192xi32, #tpu.memory_space<vmem>>, vector<16xi32>,
        %bitcast3A_170 = vector.bitcast %get3A_169 : vector<16xi32> to vector<16xi32>
        %mul3A_171 = arith.constant 16 : i32
        %mul3A_172 = arith.muli %while3A_164, %mul3A_171 : i32
        %add3A_173 = vector.broadcast %mul3A_172 : i32 to vector<16xi32>
        %add3A_174 = arith.addi %add3A_173, %iota3A : vector<16xi32>
        %lt3A_175 = vector.broadcast %min3A_58 : i32 to vector<16xi32>
        %lt3A_176 = arith.cmpi slt, %add3A_174, %lt3A_175 : vector<16xi32>
        %ge3A_177 = vector.broadcast %scan3A_81 : i32 to vector<16xi32>
        %ge3A_178 = arith.cmpi uge, %bitcast3A_170, %ge3A_177 : vector<16xi32>
        %and3A_179 = arith.andi %lt3A_176, %ge3A_178 : vector<16xi1>
        %lt3A_180 = arith.constant -2147483648 : i32
        %lt3A_181 = vector.broadcast %lt3A_180 : i32 to vector<16xi32>
        %lt3A_182 = arith.cmpi ult, %bitcast3A_170, %lt3A_181 : vector<16xi32>
        %xor3A_183 = arith.constant -1 : i32
        %xor3A_184 = vector.broadcast %xor3A_183 : i32 to vector<16xi32>
        %xor3A_185 = arith.xori %bitcast3A_170, %xor3A_184 : vector<16xi32>
        %xor3A_186 = arith.constant -2147483648 : i32
        %xor3A_187 = vector.broadcast %xor3A_186 : i32 to vector<16xi32>
        %xor3A_188 = arith.xori %bitcast3A_170, %xor3A_187 : vector<16xi32>
        %select_n3A_189 = arith.select %lt3A_182, %xor3A_185, %xor3A_188 : vector<16xi1>, vector<16xi32>
        %bitcast_convert_type3A_190 = tpu.bitcast %select_n3A_189 : vector<16xi32> -> vector<16xf32>
        %sub3A_191 = vector.broadcast %reduce_max3A_34 : f32 to vector<16xf32>
        %sub3A_192 = arith.subf %bitcast_convert_type3A_190, %sub3A_191 : vector<16xf32>
        %exp3A_193 = math.exp %sub3A_192 : vector<16xf32>
        %broadcast_in_dim3A_194 = arith.constant 0.000000e+00 : f32
        %broadcast_in_dim3A_195 = vector.broadcast %broadcast_in_dim3A_194 : f32 to vector<16xf32>
        %select_n3A_196 = arith.select %and3A_179, %exp3A_193, %broadcast_in_dim3A_195 : vector<16xi1>, vector<16xf32>
        %add3A_197 = arith.addf %while3A_165, %select_n3A_196 : vector<16xf32>
        scf.yield %add3A_197 : vector<16xf32>
      }
      %reduce_sum3A = arith.constant true
      %reduce_sum3A_95 = vector.broadcast %reduce_sum3A : i1 to vector<16xi1>
      %reduce_sum3A_96 = tpu.scan <sum>, %while3A_94 masked %reduce_sum3A_95 : vector<16xf32>, vector<16xi1> -> vector<16xf32>
      %reduce_sum3A_97 = vector.extract %reduce_sum3A_96[15] : f32 from vector<16xf32>
      %shift_right_logical3A = arith.constant 4 : i32
      %shift_right_logical3A_98 = arith.shrui %scan3A_15, %shift_right_logical3A : i32
      %shift_left3A_99 = arith.constant 4 : i32
      %shift_left3A_100 = arith.shli %shift_right_logical3A_98, %shift_left3A_99 : i32
      %get3A = arith.index_cast %shift_left3A_100 : i32 to index
      %get3A_101 = tpu.vector_load %arg10[%get3A] {strides = array<i32>} : memref<32xi32, #tpu.memory_space<vmem>>, vector<16xi32>,
      %sub3A_102 = arith.subi %scan3A_15, %shift_left3A_100 : i32
      %eq3A = vector.broadcast %sub3A_102 : i32 to vector<16xi32>
      %eq3A_103 = arith.cmpi eq, %iota3A, %eq3A : vector<16xi32>
      %jit3A_104 = arith.constant -1 : i32
      %broadcast_in_dim3A_105 = vector.broadcast %jit3A_104 : i32 to vector<16xi32>
      %select_n3A_106 = arith.select %eq3A_103, %get3A_101, %broadcast_in_dim3A_105 : vector<16xi1>, vector<16xi32>
      %reduce_max3A_107 = arith.constant true
      %reduce_max3A_108 = vector.broadcast %reduce_max3A_107 : i1 to vector<16xi1>
      %reduce_max3A_109 = arith.constant -2147483648 : i32
      %reduce_max3A_110 = vector.broadcast %reduce_max3A_109 : i32 to vector<16xi32>
      %reduce_max3A_111 = arith.xori %select_n3A_106, %reduce_max3A_110 : vector<16xi32>
      %reduce_max3A_112 = tpu.scan <max>, %reduce_max3A_111 masked %reduce_max3A_108 : vector<16xi32>, vector<16xi1> -> vector<16xi32>
      %reduce_max3A_113 = arith.xori %reduce_max3A_112, %reduce_max3A_110 : vector<16xi32>
      %reduce_max3A_114 = vector.extract %reduce_max3A_113[15] : i32 from vector<16xi32>
      %shift_right_logical3A_115 = arith.constant 4 : i32
      %shift_right_logical3A_116 = arith.shrui %reduce_max3A_114, %shift_right_logical3A_115 : i32
      %shift_left3A_117 = arith.constant 4 : i32
      %shift_left3A_118 = arith.shli %shift_right_logical3A_116, %shift_left3A_117 : i32
      %sub3A_119 = arith.subi %reduce_max3A_114, %shift_left3A_118 : i32
      %get3A_120 = arith.index_cast %shift_left3A_118 : i32 to index
      %get3A_121 = tpu.vector_load %arg7[%get3A_120] {strides = array<i32>} : memref<100000xf32, #tpu.memory_space<vmem>>, vector<16xf32>,
      %bitcast_convert_type3A = tpu.bitcast %get3A_121 : vector<16xf32> -> vector<16xi32>
      %ge3A = arith.constant -2147483648 : i32
      %ge3A_122 = vector.broadcast %ge3A : i32 to vector<16xi32>
      %ge3A_123 = arith.cmpi uge, %bitcast_convert_type3A, %ge3A_122 : vector<16xi32>
      %xor3A = arith.constant -1 : i32
      %xor3A_124 = vector.broadcast %xor3A : i32 to vector<16xi32>
      %xor3A_125 = arith.xori %bitcast_convert_type3A, %xor3A_124 : vector<16xi32>
      %xor3A_126 = arith.constant -2147483648 : i32
      %xor3A_127 = vector.broadcast %xor3A_126 : i32 to vector<16xi32>
      %xor3A_128 = arith.xori %bitcast_convert_type3A, %xor3A_127 : vector<16xi32>
      %select_n3A_129 = arith.select %ge3A_123, %xor3A_125, %xor3A_128 : vector<16xi1>, vector<16xi32>
      %eq3A_130 = vector.broadcast %sub3A_119 : i32 to vector<16xi32>
      %eq3A_131 = arith.cmpi eq, %iota3A, %eq3A_130 : vector<16xi32>
      %lt3A = vector.broadcast %scan3A_81 : i32 to vector<16xi32>
      %lt3A_132 = arith.cmpi ult, %select_n3A_129, %lt3A : vector<16xi32>
      %and3A_133 = arith.andi %eq3A_131, %lt3A_132 : vector<16xi1>
      %sub3A_134 = vector.broadcast %reduce_max3A_34 : f32 to vector<16xf32>
      %sub3A_135 = arith.subf %get3A_121, %sub3A_134 : vector<16xf32>
      %exp3A = math.exp %sub3A_135 : vector<16xf32>
      %broadcast_in_dim3A_136 = arith.constant 0.000000e+00 : f32
      %broadcast_in_dim3A_137 = vector.broadcast %broadcast_in_dim3A_136 : f32 to vector<16xf32>
      %select_n3A_138 = arith.select %and3A_133, %exp3A, %broadcast_in_dim3A_137 : vector<16xi1>, vector<16xf32>
      %reduce_sum3A_139 = arith.constant true
      %reduce_sum3A_140 = vector.broadcast %reduce_sum3A_139 : i1 to vector<16xi1>
      %reduce_sum3A_141 = tpu.scan <sum>, %select_n3A_138 masked %reduce_sum3A_140 : vector<16xf32>, vector<16xi1> -> vector<16xf32>
      %reduce_sum3A_142 = vector.extract %reduce_sum3A_141[15] : f32 from vector<16xf32>
      %add3A_143 = arith.addf %reduce_sum3A_97, %reduce_sum3A_142 : f32
      %eq3A_144 = arith.constant 0 : i32
      %eq3A_145 = vector.broadcast %eq3A_144 : i32 to vector<16xi32>
      %eq3A_146 = arith.cmpi eq, %iota3A, %eq3A_145 : vector<16xi32>
      %broadcast_in_dim3A_147 = arith.constant 0 : i32
      %broadcast_in_dim3A_148 = vector.broadcast %broadcast_in_dim3A_147 : i32 to vector<16xi32>
      %add3A_149 = vector.broadcast %scan3A_15 : i32 to vector<16xi32>
      %add3A_150 = arith.addi %broadcast_in_dim3A_148, %add3A_149 : vector<16xi32>
      %broadcast_in_dim3A_151 = arith.constant 0 : i32
      %broadcast_in_dim3A_152 = vector.broadcast %broadcast_in_dim3A_151 : i32 to vector<16xi32>
      %add3A_153 = vector.broadcast %scan3A_81 : i32 to vector<16xi32>
      %add3A_154 = arith.addi %broadcast_in_dim3A_152, %add3A_153 : vector<16xi32>
      %bitcast3A = vector.bitcast %add3A_154 : vector<16xi32> to vector<16xi32>
      tpu.vector_store_idx %arg11[%add3A_150], %bitcast3A masked %eq3A_146 : memref<32xi32, #tpu.memory_space<vmem>>[vector<16xi32>], vector<16xi32>, vector<16xi1>
      %broadcast_in_dim3A_155 = arith.constant 0.000000e+00 : f32
      %broadcast_in_dim3A_156 = vector.broadcast %broadcast_in_dim3A_155 : f32 to vector<16xf32>
      %add3A_157 = vector.broadcast %add3A_143 : f32 to vector<16xf32>
      %add3A_158 = arith.addf %broadcast_in_dim3A_156, %add3A_157 : vector<16xf32>
      tpu.vector_store_idx %arg12[%add3A_150], %add3A_158 masked %eq3A_146 : memref<32xf32, #tpu.memory_space<vmem>>[vector<16xi32>], vector<16xf32>, vector<16xi1>
      %broadcast_in_dim3A_159 = arith.constant 0.000000e+00 : f32
      %broadcast_in_dim3A_160 = vector.broadcast %broadcast_in_dim3A_159 : f32 to vector<16xf32>
      %add3A_161 = vector.broadcast %reduce_max3A_34 : f32 to vector<16xf32>
      %add3A_162 = arith.addf %broadcast_in_dim3A_160, %add3A_161 : vector<16xf32>
      tpu.vector_store_idx %arg13[%add3A_150], %add3A_162 masked %eq3A_146 : memref<32xf32, #tpu.memory_space<vmem>>[vector<16xi32>], vector<16xf32>, vector<16xi1>
      %scan3A_163 = arith.constant 0 : i32
      scf.yield %scan3A_163 : i32
    }
    %scan3A_14 = arith.constant 32 : i32
    "tpu.region"() ({
      %run_scoped3A = tpu.sem_alloc : memref<!tpu.dma_semaphore, #tpu.memory_space<semaphore_mem>>
      %dma_start3A = tpu.memref_slice %arg4[%mul3A_8] : memref<1024xi32, #tpu.memory_space<hbm>> -> memref<32xi32, #tpu.memory_space<hbm>>
      %dma_start3A_15 = tpu.memref_slice %arg4[%mul3A_8] : memref<1024xi32, #tpu.memory_space<hbm>> -> memref<32xi32, #tpu.memory_space<hbm>>
      tpu.enqueue_dma source(%arg11 : memref<32xi32, #tpu.memory_space<vmem>>) target(%dma_start3A_15 : memref<32xi32, #tpu.memory_space<hbm>>) target_semaphore(%run_scoped3A : memref<!tpu.dma_semaphore, #tpu.memory_space<semaphore_mem>>)
      %dma_wait3A = tpu.memref_slice %arg4[%mul3A_8] : memref<1024xi32, #tpu.memory_space<hbm>> -> memref<32xi32, #tpu.memory_space<hbm>>
      %dma_wait3A_16 = tpu.memref_slice %arg4[%mul3A_8] : memref<1024xi32, #tpu.memory_space<hbm>> -> memref<32xi32, #tpu.memory_space<hbm>>
      tpu.wait_dma2 semaphore(%run_scoped3A : memref<!tpu.dma_semaphore, #tpu.memory_space<semaphore_mem>>) src(%arg11 : memref<32xi32, #tpu.memory_space<vmem>>) dst(%dma_wait3A_16 : memref<32xi32, #tpu.memory_space<hbm>>)
      tpu.yield
    }) : () -> ()
    "tpu.region"() ({
      %run_scoped3A = tpu.sem_alloc : memref<!tpu.dma_semaphore, #tpu.memory_space<semaphore_mem>>
      %dma_start3A = tpu.memref_slice %arg5[%mul3A_8] : memref<1024xf32, #tpu.memory_space<hbm>> -> memref<32xf32, #tpu.memory_space<hbm>>
      %dma_start3A_15 = tpu.memref_slice %arg5[%mul3A_8] : memref<1024xf32, #tpu.memory_space<hbm>> -> memref<32xf32, #tpu.memory_space<hbm>>
      tpu.enqueue_dma source(%arg12 : memref<32xf32, #tpu.memory_space<vmem>>) target(%dma_start3A_15 : memref<32xf32, #tpu.memory_space<hbm>>) target_semaphore(%run_scoped3A : memref<!tpu.dma_semaphore, #tpu.memory_space<semaphore_mem>>)
      %dma_wait3A = tpu.memref_slice %arg5[%mul3A_8] : memref<1024xf32, #tpu.memory_space<hbm>> -> memref<32xf32, #tpu.memory_space<hbm>>
      %dma_wait3A_16 = tpu.memref_slice %arg5[%mul3A_8] : memref<1024xf32, #tpu.memory_space<hbm>> -> memref<32xf32, #tpu.memory_space<hbm>>
      tpu.wait_dma2 semaphore(%run_scoped3A : memref<!tpu.dma_semaphore, #tpu.memory_space<semaphore_mem>>) src(%arg12 : memref<32xf32, #tpu.memory_space<vmem>>) dst(%dma_wait3A_16 : memref<32xf32, #tpu.memory_space<hbm>>)
      tpu.yield
    }) : () -> ()
    "tpu.region"() ({
      %run_scoped3A = tpu.sem_alloc : memref<!tpu.dma_semaphore, #tpu.memory_space<semaphore_mem>>
      %dma_start3A = tpu.memref_slice %arg6[%mul3A_8] : memref<1024xf32, #tpu.memory_space<hbm>> -> memref<32xf32, #tpu.memory_space<hbm>>
      %dma_start3A_15 = tpu.memref_slice %arg6[%mul3A_8] : memref<1024xf32, #tpu.memory_space<hbm>> -> memref<32xf32, #tpu.memory_space<hbm>>
      tpu.enqueue_dma source(%arg13 : memref<32xf32, #tpu.memory_space<vmem>>) target(%dma_start3A_15 : memref<32xf32, #tpu.memory_space<hbm>>) target_semaphore(%run_scoped3A : memref<!tpu.dma_semaphore, #tpu.memory_space<semaphore_mem>>)
      %dma_wait3A = tpu.memref_slice %arg6[%mul3A_8] : memref<1024xf32, #tpu.memory_space<hbm>> -> memref<32xf32, #tpu.memory_space<hbm>>
      %dma_wait3A_16 = tpu.memref_slice %arg6[%mul3A_8] : memref<1024xf32, #tpu.memory_space<hbm>> -> memref<32xf32, #tpu.memory_space<hbm>>
      tpu.wait_dma2 semaphore(%run_scoped3A : memref<!tpu.dma_semaphore, #tpu.memory_space<semaphore_mem>>) src(%arg13 : memref<32xf32, #tpu.memory_space<vmem>>) dst(%dma_wait3A_16 : memref<32xf32, #tpu.memory_space<hbm>>)
      tpu.yield
    }) : () -> ()
    return
  }
}

module attributes {stable_mosaic.version = 14 : i64} {
  func.func @_k1_body(%arg0: i32, %arg1: memref<1024x128xf32, #tpu.memory_space<vmem>>, %arg2: memref<2048x128xf32, #tpu.memory_space<vmem>>, %arg3: memref<1024x2048xf32, #tpu.memory_space<vmem>>) attributes {dimension_semantics = [#tpu.dimension_semantics<arbitrary>], iteration_bounds = array<i64: 49>, scalar_prefetch = 0 : i64, scratch_operands = 0 : i64, tpu.core_type = #tpu.core_type<tc>, window_params = [{pipeline_mode = #tpu.pipeline_mode<synchronous>, transform_indices = @transform_0, window_bounds = array<i64: 1024, 128>}, {transform_indices = @transform_1, window_bounds = array<i64: 2048, 128>}, {transform_indices = @transform_2, window_bounds = array<i64: 1024, 2048>}]} {
    %get3A = arith.constant 0 : index
    %get3A_0 = arith.constant 0 : index
    %get3A_1 = vector.load %arg1[%get3A, %get3A_0] : memref<1024x128xf32, #tpu.memory_space<vmem>>, vector<1024x128xf32>
    %get3A_2 = arith.constant 0 : index
    %get3A_3 = arith.constant 0 : index
    %get3A_4 = vector.load %arg2[%get3A_2, %get3A_3] : memref<2048x128xf32, #tpu.memory_space<vmem>>, vector<2048x128xf32>
    %dot_general3A = arith.constant dense<0.000000e+00> : vector<1024x2048xf32>
    %dot_general3A_5 = tpu.matmul %get3A_1, %get3A_4, %dot_general3A {dimension_numbers = #tpu.dot_dimension_numbers<[1], [1], [0], [0], [0, 0, 1, 0], [], []>, transpose_lhs_hint = false} : vector<1024x128xf32>, vector<2048x128xf32>, vector<1024x2048xf32> -> vector<1024x2048xf32>
    %swap3A = arith.constant 0 : index
    %swap3A_6 = arith.constant 0 : index
    %swap3A_7 = vector.load %arg3[%swap3A, %swap3A_6] : memref<1024x2048xf32, #tpu.memory_space<vmem>>, vector<1024x2048xf32>
    tpu.vector_store %arg3[%swap3A, %swap3A_6], %dot_general3A_5 {strides = array<i32>} : memref<1024x2048xf32, #tpu.memory_space<vmem>>, vector<1024x2048xf32>,
    return
  }
  func.func @transform_0(%arg0: i32) -> (i32, i32) {
    %c0_i32 = arith.constant 0 : i32
    %c0_i32_0 = arith.constant 0 : i32
    %c0_i32_1 = arith.constant 0 : i32
    return %c0_i32, %c0_i32_0 : i32, i32
  }
  func.func @transform_1(%arg0: i32) -> (i32, i32) {
    %c0_i32 = arith.constant 0 : i32
    %c0_i32_0 = arith.constant 0 : i32
    return %arg0, %c0_i32 : i32, i32
  }
  func.func @transform_2(%arg0: i32) -> (i32, i32) {
    %c0_i32 = arith.constant 0 : i32
    %c0_i32_0 = arith.constant 0 : i32
    return %c0_i32, %arg0 : i32, i32
  }
}

module attributes {stable_mosaic.version = 14 : i64} {
  func.func @_k3_body(%arg0: i32, %arg1: memref<1024x128xf32, #tpu.memory_space<vmem>>, %arg2: memref<2048x128xf32, #tpu.memory_space<vmem>>, %arg3: memref<1024x1xi32, #tpu.memory_space<vmem>>, %arg4: memref<1024x1xf32, #tpu.memory_space<vmem>>, %arg5: memref<1024x1xf32, #tpu.memory_space<vmem>>, %arg6: memref<1024x1xi32, #tpu.memory_space<vmem>>, %arg7: memref<1024x2048xf32, #tpu.memory_space<vmem>>) attributes {dimension_semantics = [#tpu.dimension_semantics<arbitrary>], iteration_bounds = array<i64: 49>, scalar_prefetch = 0 : i64, scratch_operands = 0 : i64, tpu.core_type = #tpu.core_type<tc>, window_params = [{pipeline_mode = #tpu.pipeline_mode<synchronous>, transform_indices = @transform_0, window_bounds = array<i64: 1024, 128>}, {transform_indices = @transform_1, window_bounds = array<i64: 2048, 128>}, {pipeline_mode = #tpu.pipeline_mode<synchronous>, transform_indices = @transform_2, window_bounds = array<i64: 1024, 1>}, {pipeline_mode = #tpu.pipeline_mode<synchronous>, transform_indices = @transform_3, window_bounds = array<i64: 1024, 1>}, {pipeline_mode = #tpu.pipeline_mode<synchronous>, transform_indices = @transform_4, window_bounds = array<i64: 1024, 1>}, {pipeline_mode = #tpu.pipeline_mode<synchronous>, transform_indices = @transform_5, window_bounds = array<i64: 1024, 1>}, {transform_indices = @transform_6, window_bounds = array<i64: 1024, 2048>}]} {
    %get3A = arith.constant 0 : index
    %get3A_0 = arith.constant 0 : index
    %get3A_1 = vector.load %arg1[%get3A, %get3A_0] : memref<1024x128xf32, #tpu.memory_space<vmem>>, vector<1024x128xf32>
    %get3A_2 = arith.constant 0 : index
    %get3A_3 = arith.constant 0 : index
    %get3A_4 = vector.load %arg2[%get3A_2, %get3A_3] : memref<2048x128xf32, #tpu.memory_space<vmem>>, vector<2048x128xf32>
    %dot_general3A = arith.constant dense<0.000000e+00> : vector<1024x2048xf32>
    %dot_general3A_5 = tpu.matmul %get3A_1, %get3A_4, %dot_general3A {dimension_numbers = #tpu.dot_dimension_numbers<[1], [1], [0], [0], [0, 0, 1, 0], [], []>, transpose_lhs_hint = false} : vector<1024x128xf32>, vector<2048x128xf32>, vector<1024x2048xf32> -> vector<1024x2048xf32>
    %bitcast_convert_type3A = tpu.bitcast %dot_general3A_5 : vector<1024x2048xf32> -> vector<1024x2048xi32>
    %ge3A = arith.constant -2147483648 : i32
    %ge3A_6 = vector.broadcast %ge3A : i32 to vector<1024x2048xi32>
    %ge3A_7 = arith.cmpi uge, %bitcast_convert_type3A, %ge3A_6 : vector<1024x2048xi32>
    %xor3A = arith.constant -1 : i32
    %xor3A_8 = vector.broadcast %xor3A : i32 to vector<1024x2048xi32>
    %xor3A_9 = arith.xori %bitcast_convert_type3A, %xor3A_8 : vector<1024x2048xi32>
    %xor3A_10 = arith.constant -2147483648 : i32
    %xor3A_11 = vector.broadcast %xor3A_10 : i32 to vector<1024x2048xi32>
    %xor3A_12 = arith.xori %bitcast_convert_type3A, %xor3A_11 : vector<1024x2048xi32>
    %select_n3A = arith.select %ge3A_7, %xor3A_9, %xor3A_12 : vector<1024x2048xi1>, vector<1024x2048xi32>
    %get3A_13 = arith.constant 0 : index
    %get3A_14 = arith.constant 0 : index
    %get3A_15 = vector.load %arg3[%get3A_13, %get3A_14] : memref<1024x1xi32, #tpu.memory_space<vmem>>, vector<1024x1xi32>
    %bitcast_convert_type3A_16 = tpu.bitcast %get3A_15 : vector<1024x1xi32> -> vector<1024x1xi32>
    %iota3A = tpu.iota {dimensions = array<i32: 1>} : vector<1024x2048xi32>
    %mul3A = arith.constant 2048 : i32
    %mul3A_17 = arith.muli %arg0, %mul3A : i32
    %add3A = vector.broadcast %mul3A_17 : i32 to vector<1024x2048xi32>
    %add3A_18 = arith.addi %iota3A, %add3A : vector<1024x2048xi32>
    %ge3A_19 = vector.broadcast %bitcast_convert_type3A_16 : vector<1024x1xi32> to vector<1024x2048xi32>
    %ge3A_20 = arith.cmpi uge, %select_n3A, %ge3A_19 : vector<1024x2048xi32>
    %get3A_21 = arith.constant 0 : index
    %get3A_22 = arith.constant 0 : index
    %get3A_23 = vector.load %arg6[%get3A_21, %get3A_22] : memref<1024x1xi32, #tpu.memory_space<vmem>>, vector<1024x1xi32>
    %eq3A = vector.broadcast %get3A_23 : vector<1024x1xi32> to vector<1024x2048xi32>
    %eq3A_24 = arith.cmpi eq, %add3A_18, %eq3A : vector<1024x2048xi32>
    %or3A = arith.ori %ge3A_20, %eq3A_24 : vector<1024x2048xi1>
    %get3A_25 = arith.constant 0 : index
    %get3A_26 = arith.constant 0 : index
    %get3A_27 = vector.load %arg4[%get3A_25, %get3A_26] : memref<1024x1xf32, #tpu.memory_space<vmem>>, vector<1024x1xf32>
    %div3A = arith.constant 1.000000e+00 : f32
    %div3A_28 = vector.broadcast %div3A : f32 to vector<1024x1xf32>
    %div3A_29 = arith.divf %div3A_28, %get3A_27 : vector<1024x1xf32>
    %get3A_30 = arith.constant 0 : index
    %get3A_31 = arith.constant 0 : index
    %get3A_32 = vector.load %arg5[%get3A_30, %get3A_31] : memref<1024x1xf32, #tpu.memory_space<vmem>>, vector<1024x1xf32>
    %sub3A = vector.broadcast %get3A_32 : vector<1024x1xf32> to vector<1024x2048xf32>
    %sub3A_33 = arith.subf %dot_general3A_5, %sub3A : vector<1024x2048xf32>
    %exp3A = math.exp %sub3A_33 : vector<1024x2048xf32>
    %mul3A_34 = vector.broadcast %div3A_29 : vector<1024x1xf32> to vector<1024x2048xf32>
    %mul3A_35 = arith.mulf %exp3A, %mul3A_34 : vector<1024x2048xf32>
    %jit3A = arith.constant 0.000000e+00 : f32
    %broadcast_in_dim3A = vector.broadcast %jit3A : f32 to vector<1024x2048xf32>
    %select_n3A_36 = arith.select %or3A, %mul3A_35, %broadcast_in_dim3A : vector<1024x2048xi1>, vector<1024x2048xf32>
    %swap3A = arith.constant 0 : index
    %swap3A_37 = arith.constant 0 : index
    %swap3A_38 = vector.load %arg7[%swap3A, %swap3A_37] : memref<1024x2048xf32, #tpu.memory_space<vmem>>, vector<1024x2048xf32>
    tpu.vector_store %arg7[%swap3A, %swap3A_37], %select_n3A_36 {strides = array<i32>} : memref<1024x2048xf32, #tpu.memory_space<vmem>>, vector<1024x2048xf32>,
    return
  }
  func.func @transform_0(%arg0: i32) -> (i32, i32) {
    %c0_i32 = arith.constant 0 : i32
    %c0_i32_0 = arith.constant 0 : i32
    %c0_i32_1 = arith.constant 0 : i32
    return %c0_i32, %c0_i32_0 : i32, i32
  }
  func.func @transform_1(%arg0: i32) -> (i32, i32) {
    %c0_i32 = arith.constant 0 : i32
    %c0_i32_0 = arith.constant 0 : i32
    return %arg0, %c0_i32 : i32, i32
  }
  func.func @transform_2(%arg0: i32) -> (i32, i32) {
    %c0_i32 = arith.constant 0 : i32
    %c0_i32_0 = arith.constant 0 : i32
    %c0_i32_1 = arith.constant 0 : i32
    return %c0_i32, %c0_i32_0 : i32, i32
  }
  func.func @transform_3(%arg0: i32) -> (i32, i32) {
    %c0_i32 = arith.constant 0 : i32
    %c0_i32_0 = arith.constant 0 : i32
    %c0_i32_1 = arith.constant 0 : i32
    return %c0_i32, %c0_i32_0 : i32, i32
  }
  func.func @transform_4(%arg0: i32) -> (i32, i32) {
    %c0_i32 = arith.constant 0 : i32
    %c0_i32_0 = arith.constant 0 : i32
    %c0_i32_1 = arith.constant 0 : i32
    return %c0_i32, %c0_i32_0 : i32, i32
  }
  func.func @transform_5(%arg0: i32) -> (i32, i32) {
    %c0_i32 = arith.constant 0 : i32
    %c0_i32_0 = arith.constant 0 : i32
    %c0_i32_1 = arith.constant 0 : i32
    return %c0_i32, %c0_i32_0 : i32, i32
  }
  func.func @transform_6(%arg0: i32) -> (i32, i32) {
    %c0_i32 = arith.constant 0 : i32
    %c0_i32_0 = arith.constant 0 : i32
    return %c0_i32, %arg0 : i32, i32
  }
}

</mosaic_0001>

<sc_bundles>
// kernel: kernel.5.cloned.1.call-start
scs
__scs_entry_jumppad:
0x0: {  	(pc) =	sbr.rel $0x88, $3  }
0x1: {  	(tag) =	ssettag $0x0;
	lr =	simm.s32 $0x1  }
0x2: {  	[smem:$0x3F9E] =	sst lr;
	_ =	strace $0xD0000000  }
0x3: {  	_ = 	snop  }
0x4: {  	_ = 	snop  }
0x5: {  	_ = 	snop  }
0x6: {  	_ = 	snop  }
0x7: {  	_ = 	snop  }
__scs_overlays_trampoline_lowered:
0x8: {  	[smem:$0x3FAD] =	sst s0  }
0x9: {  	[smem:$0x3FAE] =	sst s1  }
0xa: {  	[smem:$0x3FAF] =	sst s2  }
0xb: {  	[smem:$0x3FB0] =	sst s3  }
0xc: {  	[smem:$0x3FB1] =	sst s4  }
0xd: {  	[smem:$0x3FB2] =	sst s5  }
0xe: {  	[smem:$0x3FB3] =	sst s6  }
0xf: {  	[smem:$0x3FB4] =	sst s7  }
0x10: {  	[smem:$0x3FB5] =	sst s8  }
0x11: {  	[smem:$0x3FB6] =	sst s9;
	s0 =	simm.s32 @!p0 $0x0  }
0x12: {  	s1 =	sld [smem:$0x3F9C];
	s0 =	simm.s32 @p0 $0x1  }
0x13: {  	[smem:$0x3FB7] =	sst s0;
	s0 =	simm.s32 @!p1 $0x0  }
0x14: {  	s2 =	sld [smem:$0x3F9B];
	s0 =	simm.s32 @p1 $0x1  }
0x15: {  	[smem:$0x3FB8] =	sst s0;
	s0 =	simm.s32 @!p2 $0x0  }
0x16: {  	s3 =	sld [smem:$0x3FDB];
	s0 =	simm.s32 @p2 $0x1  }
0x17: {  	s4 =	simm.s32 $0x1BF5;
	[smem:$0x3FBA] =	sst s0  }
0x18: {  	s0 =	sld [smem:$0x3F9D];
	_ =	swait.ge [sflag:s4], $0x0  }
0x19: {  	s7 =	sld [smem:$0x3F9E]  }
0x1a: {  	s8 =	sadd.s32 $0xFFFFE003, lr  }
0x1b: {  	s9 =	sadd.s32 $0xFFFFFEF7, lr;
	s5 =	simm.s32 $0xFFFFFFFF;
	p2 =	slt.u32 s8, $0xFFFFF086  }
0x1c: {  	p1 =	slt.u32 s9, $0xF7A;
	s5 =	simm.s32 @!p2 $0x0  }
0x1d: {  	s5 =	simm.s32 @p1 $0x1;
	p0 =	seq.s32 s7, s2  }
0x1e: {  	s7 =	smul.u32 @!p0 $0xF7A, s2;
	p2 =	seq.s32 @!p0 s5, $0x0  }
0x1f: {  	s9 =	smul.u32 $0xF7A, s1;
	s8 =	simm.s32 @!p0 $0x1BF5;
	p2 =	por !p2, p0  }
0x20: {  	[sflag:s8] =	ssyncset.s32 @!p0 $0xFFFFF086;
	s6 =	sadd.s32 @!p0 s3, s7;
	s7 =	simm.s32 @!p0 $0x108  }
0x21: {  	s3 =	sadd.s32 s3, s9;
	s6 =	sadd.s32 @!p0 $0x88, s6;
	s7 =	simm.s32 @p2 $0x1082  }
0x22: {  	[simem:s7], [sflag:s8] =	dma.local @!p0 [hbm:s6], $0xF7A  }
0x23: {  	s9 =	sor.u32 $0xD0000000, s2;
	s6 =	simm.s32 $0x108;
	_ =	swait.ge @!p0 [sflag:s8], $0x0  }
0x24: {  	s3 =	sadd.s32 $0x88, s3;
	s6 =	simm.s32 @!p1 $0x1082;
	[sflag:s4] =	ssyncset.s32 $0xFFFFF086  }
0x25: {  	[simem:s6], [sflag:s4] =	dma.local [hbm:s3], $0xF7A  }
0x26: {  	[smem:$0x3F9E] =	sst s1;
	(tag) =	ssettag s2;
	_ =	strace s9  }
0x27: {  	s1 =	sld [smem:$0x3FAE]  }
0x28: {  	s2 =	sld [smem:$0x3FAF]  }
0x29: {  	s4 =	sld [smem:$0x3FB1]  }
0x2a: {  	p0 =	seq.s32 s5, $0x0;
	s5 =	sld [smem:$0x3FB2]  }
0x2b: {  	s6 =	sld [smem:$0x3FB3]  }
0x2c: {  	s7 =	sld [smem:$0x3FB4]  }
0x2d: {  	s3 =	simm.s32 $0x108;
	s8 =	sld [smem:$0x3FB5]  }
0x2e: {  	s3 =	simm.s32 @!p0 $0x1082;
	s9 =	sld [smem:$0x3FB6]  }
0x2f: {  	lr =	sadd.s32 s0, s3;
	s0 =	sld [smem:$0x3FAD]  }
0x30: {  	s3 =	sld [smem:$0x3FB0]  }
0x31: {  	[smem:$0x3FB9] =	sst s10  }
0x32: {  	s10 =	sld [smem:$0x3FB7];
	_ =	sdelay $0x3  }
0x33: {  	p0 =	seq.s32 s10, $0x1;
	s10 =	sld [smem:$0x3FB9];
	_ =	sdelay $0x3  }
0x34: {  	[smem:$0x3FB9] =	sst s10  }
0x35: {  	s10 =	sld [smem:$0x3FB8];
	_ =	sdelay $0x3  }
0x36: {  	p1 =	seq.s32 s10, $0x1;
	s10 =	sld [smem:$0x3FB9];
	_ =	sdelay $0x3  }
0x37: {  	[smem:$0x3FB9] =	sst s10  }
0x38: {  	s10 =	sld [smem:$0x3FBA]  }
0x39: {  	_ = 	snop;
	(pc) =	sbr.ind lr, $3  }
0x3a: {  	_ = 	snop  }
0x3b: {  	_ = 	snop  }
0x3c: {  	p2 =	seq.s32 s10, $0x1;
	s10 =	sld [smem:$0x3FB9]  }
0x3d: {  	_ =	shalt  }
0x3e: {  	_ =	shalt  }
0x3f: {  	_ =	shalt  }
0x40: {  	_ =	shalt  }
0x41: {  	_ =	shalt  }
0x42: {  	_ =	shalt  }
0x43: {  	_ =	shalt  }
0x44: {  	_ =	shalt  }
0x45: {  	_ =	shalt  }
0x46: {  	_ =	shalt  }
0x47: {  	_ =	shalt  }
0x48: {  	_ =	shalt  }
0x49: {  	_ =	shalt  }
0x4a: {  	_ =	shalt  }
0x4b: {  	_ =	shalt  }
0x4c: {  	_ =	shalt  }
0x4d: {  	_ =	shalt  }
0x4e: {  	_ =	shalt  }
0x4f: {  	_ =	shalt  }
0x50: {  	_ =	shalt  }
0x51: {  	_ =	shalt  }
0x52: {  	_ =	shalt  }
0x53: {  	_ =	shalt  }
0x54: {  	_ =	shalt  }
0x55: {  	_ =	shalt  }
0x56: {  	_ =	shalt  }
0x57: {  	_ =	shalt  }
0x58: {  	_ =	shalt  }
0x59: {  	_ =	shalt  }
0x5a: {  	_ =	shalt  }
0x5b: {  	_ =	shalt  }
0x5c: {  	_ =	shalt  }
0x5d: {  	_ =	shalt  }
0x5e: {  	_ =	shalt  }
0x5f: {  	_ =	shalt  }
0x60: {  	_ =	shalt  }
0x61: {  	_ =	shalt  }
0x62: {  	_ =	shalt  }
0x63: {  	_ =	shalt  }
0x64: {  	_ =	shalt  }
0x65: {  	_ =	shalt  }
0x66: {  	_ =	shalt  }
0x67: {  	_ =	shalt  }
0x68: {  	_ =	shalt  }
0x69: {  	_ =	shalt  }
0x6a: {  	_ =	shalt  }
0x6b: {  	_ =	shalt  }
0x6c: {  	_ =	shalt  }
0x6d: {  	_ =	shalt  }
0x6e: {  	_ =	shalt  }
0x6f: {  	_ =	shalt  }
0x70: {  	_ =	shalt  }
0x71: {  	_ =	shalt  }
0x72: {  	_ =	shalt  }
0x73: {  	_ =	shalt  }
0x74: {  	_ =	shalt  }
0x75: {  	_ =	shalt  }
0x76: {  	_ =	shalt  }
0x77: {  	_ =	shalt  }
0x78: {  	_ =	shalt  }
0x79: {  	_ =	shalt  }
0x7a: {  	_ =	shalt  }
0x7b: {  	_ =	shalt  }
0x7c: {  	_ =	shalt  }
0x7d: {  	_ =	shalt  }
0x7e: {  	_ =	shalt  }
0x7f: {  	_ =	shalt  }
0x80: {  	_ =	shalt  }
0x81: {  	_ =	shalt  }
0x82: {  	_ =	shalt  }
0x83: {  	_ =	shalt  }
0x84: {  	_ =	shalt  }
0x85: {  	_ =	shalt  }
0x86: {  	_ =	shalt  }
0x87: {  	_ =	shalt  }
.Lfunc_end0:
.L_simem_size_0:
called_computation_lowered:
.L_overlay_start_0:
0x88: {  	s2 =	sld [smem:$0x3FD9]  }
0x89: {  	s3 =	sld [smem:$0x3FFE];
	_ =	sdelay $0x1  }
0x8a: {  	s1 =	srdreg.scid  }
0x8b: {  	s0 =	sand.u32 $0x1, s1  }
0x8c: {  	s17 =	sshll.u32 s0, $0xA;
	s2 =	sadd.s32 s3, s2  }
0x8d: {  	s2 =	sadd.s32 s2, s17  }
0x8e: {  	[smem:$0x3FC5] =	sst s2  }
0x8f: {  	_ = 	snop  }
0x90: {  	s2 =	sld [smem:$0x3FC8]  }
0x91: {  	s18 =	sld [smem:$0x3FD0];
	(tm) =	ssettm $0x1  }
0x92: {  	s4 =	sld [smem:$0x3FFB];
	_ =	sdelay $0x3  }
0x93: {  	_ =	strace s4  }
0x94: {  	s4 =	sld [smem:$0x3FFC];
	_ =	sdelay $0x3  }
0x95: {  	_ =	strace s4  }
0x96: {  	s4 =	sld [smem:$0x3FFD];
	_ =	sdelay $0x3  }
0x97: {  	_ =	strace s4  }
0x98: {  	_ =	strace $0x8FFFFFFF  }
0x99: {  	s19 =	sld [smem:$0x3FDB];
	_ =	sdelay $0x1  }
0x9a: {  	s5 =	simm.s32 $_scs_section_size  }
0x9b: {  	s6 =	simm.s32 $_size__tile_overlayer_lowered;
	s7 =	simm.s32 $_tile_overlayer_lowered  }
0x9c: {  	s22 =	simm.s32 $0x1BFF;
	s21 =	sshll.u32 s7, $0x1;
	s4 =	sadd.s32 s5, s19  }
0x9d: {  	s8 =	simm.s32 $0x0;
	s20 =	sshll.u32 s6, $0x1;
	s6 =	sadd.s32 s21, s4  }
0x9e: {  	[timem:s8], [sflag:s22] =	dma.local [hbm:s6], s20  }
0x9f: {  	_ =	swait.ge [sflag:s22], s20  }
0xa0: {  	s5 =	ssub.s32 $0x0, s20;
	[sflag:s22] =	ssyncset.done $0x0  }
0xa1: {  	[sflag:s22] =	ssyncadd.s32 s5;
	_ =	sdelay $0x1  }
0xa2: {  	s23 =	simm.s32 $0x1B8B  }
0xa3: {  	_ =	swait.ge [sflag:s23], $0x1  }
0xa4: {  	[sflag:s23] =	ssyncset.done $0x0  }
0xa5: {  	s25 =	simm.s32 $0x1B8E;
	s24 =	sld [smem:$0x3FFE];
	[sflag:s23] =	ssyncadd.s32 $0xFFFFFFFF  }
0xa6: {  	s26 =	simm.s32 $execute0_lowered;
	[smem:$0x3FD2] =	sst s25  }
0xa7: {  	s6 =	sshll.u32 s26, $0x1;
	_ =	strace $0x80000046;
	[dreg:$0x1] =	wrdreg $0xFFFFFFFF  }
0xa8: {  	s28 =	simm.s32 $_size_execute0_lowered;
	s4 =	sadd.s32 s4, s6;
	[dreg:$0x0] =	wrdreg $0x0  }
0xa9: {  	s6 =	sshll.u32 s28, $0x1;
	[dreg:$0x2] =	wrdreg s4  }
0xaa: {  	[dreg:$0x3] =	wrdreg s6  }
0xab: {  	[dreg:$0x4] =	wrdreg $0xC0  }
0xac: {  	_ =	task [dreg:s8], $0x5FFFF  }
0xad: {  	[dreg:$0x1] =	wrdreg $0xFFFFFFFF  }
0xae: {  	[dreg:$0x0] =	wrdreg $0x60  }
0xaf: {  	[dreg:$0x2] =	wrdreg s24  }
0xb0: {  	[dreg:$0x3] =	wrdreg s2  }
0xb1: {  	[dreg:$0x4] =	wrdreg s18  }
0xb2: {  	[dreg:$0x5] =	wrdreg $0x9  }
0xb3: {  	_ =	task.clear_ibuf [dreg:s8], $0x6FFFF;
	_ =	strace $0x90000046  }
0xb4: {  	s29 =	simm.s32 $0x9;
	_ =	strace $0x80000048  }
0xb5: {  	_ =	swait.ge [sflag:s29], $0x1  }
0xb6: {  	[sflag:s29] =	ssyncadd.s32 $0xFFFFFFFF  }
0xb7: {  	_ =	strace $0x90000048  }
0xb8: {  	_ =	sfence  }
0xb9: {  	s30 =	sld [smem:$0x0];
	_ =	sdelay $0x2  }
0xba: {  	s31 =	sshll.u32 s1, $0xD;
	s1 =	sshrl.u32 s1, $0x2  }
0xbb: {  	s3 =	sand.u32 $0x4000, s31;
	s1 =	sadd.s32 s1, s30  }
0xbc: {  	s0 =	sor.u32 s3, s0;
	s1 =	sshll.u32 s1, $0x11  }
0xbd: {  	s0 =	sor.u32 s1, s0  }
0xbe: {  	s0 =	sadd.s32 $0x8F2B, s0  }
0xbf: {  	[sflag:s0] =	ssyncadd.remote.s32 $0x1  }
0xc0: {  	_ =	sfence.sel $0xFFFF  }
0xc1: {  	[dreg:$0x0] =	wrdreg $0xFFFFFFFF;
	(pc) =	sbr.abs _section_cstart, $3  }
0xc2: {  	[dreg:$0x1] =	wrdreg $0xFFFFFFFF  }
0xc3: {  	_ =	task.clear_ibuf [dreg:s8], $0x2FFFF;
	_ =	strace $0x9FFFFFFF  }
0xc4: {  	(tm) =	ssettm $0x7FFFFFFF  }
0xc5: {  	_ =	shalt  }
tec
execute0_lowered:
.L_overlay_start_1:
0x0: {  	(tag) =	ssettag $0x1  }
0x1: {  	s0 =	rddreg [dreg:$0x0]  }
0x2: {  	s5 =	rddreg [dreg:$0x1]  }
0x3: {  	s6 =	rddreg [dreg:$0x2];
	s3 =	srdreg.scid;
	s2 =	simm.s32 $0x0  }
0x4: {  	s1 =	stileid.u32;
	s10 =	simm.s32 $0x1E700;
	s11 =	simm.s32 $0x1  }
0x5: {  	s12 =	simm.s32 $0x80;
	s13 =	simm.s32 $0x400;
	s14 =	simm.s32 $0x18700  }
0x6: {  	s15 =	simm.s32 $0x1C700;
	s16 =	simm.s32 $0x200000;
	s17 =	simm.s32 $0x1E780  }
0x7: {  	s18 =	simm.s32 $0x1E800;
	s19 =	simm.s32 $0x1E880;
	s20 =	simm.s32 $0x0  }
0x8: {  	s4 =	sand.u32 $0x1, s3;
	[smem:$0x7FF] =	sst s2;
	s7 =	sshll.u32 s1, $0x5  }
.Ltmp0:
0x9: {  	s3 =	sshll.u32 s4, $0x9;
	s31 =	ssub.s32 $0x2, s4;
	(pc) =	sbr.rel .LBB2_1-.Ltmp0, $4  }
0xa: {  	_ =	strace $0x80000047;
	s3 =	sor.u32 s7, s3;
	s9 =	sshrl.u32 s31, $0x1  }
0xb: {  	s4 =	sadd.s32 $0xE00, s0;
	s8 =	sshrl.u32 s3, $0x3;
	s9 =	ssub.s32 s31, s9  }
0xc: {  	v0 =	vlaneseq.u32;
	v1 =	vimm.s32 $0x0;
	v3 =	vimm.s32 $0x1;
	s0 =	sadd.s32 s8, s0;
	s5 =	sadd.s32 s5, s8;
	s6 =	sadd.s32 s6, s8  }
0xd: {  	v5 =	vimm.s32 $0x80000000;
	v2 =	vmul.u32 $0x400, v0;
	v4 =	vor.u32 $0x80000000, v0;
	s9 =	smax.u32 s9, $0x1;
	s7 =	sadd.s32 $0xC38E00, s0;
	s8 =	sadd.s32 $0xC39000, s0  }
.LBB2_30:
0xe: {  	[hbm4b:s6+s2] =	stream.linear.scatter [tilespmem:s17], [sflag:$0x1], $0x20, $0x38;
	[tilespmem:$0x1E900] =	vst v63  }
0xf: {  	_ =	swait.ge [sflag:s11], $0x20  }
0x10: {  	[sflag:s11] =	ssyncset.done $0x0  }
0x11: {  	[sflag:s11] =	ssyncadd.s32 $0xFFFFFFE0  }
0x12: {  	[hbm4b:s7+s2] =	stream.linear.scatter [tilespmem:s18], [sflag:$0x1], $0x20, $0x38;
	[tilespmem:$0x1E900] =	vst v63  }
0x13: {  	s20 =	sadd.s32 $0x1, s20;
	_ =	swait.ge [sflag:s11], $0x20  }
0x14: {  	p0 =	sne.s32 s20, s9;
	[sflag:s11] =	ssyncset.done $0x0  }
.Ltmp1:
0x15: {  	[sflag:s11] =	ssyncadd.s32 $0xFFFFFFE0;
	(pc) =	sbr.rel @!p0 .LBB2_31-.Ltmp1, $4  }
0x16: {  	[hbm4b:s8+s2] =	stream.linear.scatter [tilespmem:s19], [sflag:$0x1], $0x20, $0x38;
	[tilespmem:$0x1E900] =	vst v63  }
0x17: {  	_ =	swait.ge [sflag:s11], $0x20  }
0x18: {  	[sflag:s11] =	ssyncset.done $0x0  }
0x19: {  	[sflag:s11] =	ssyncadd.s32 $0xFFFFFFE0  }
.LBB2_1:
.Ltmp2:
0x1a: {  	(pc) =	sbr.rel .LBB2_2-.Ltmp2, $4  }
0x1b: {  	[tilespmem:s10], [sflag:$0x1] =	stream.linear.gather [hbm4b:s5+s2], $0x20, $0x38;
	[tilespmem:$0x1E900] =	vst v63  }
0x1c: {  	_ =	swait.ge [sflag:s11], $0x20  }
0x1d: {  	[sflag:s11] =	ssyncset.done $0x0  }
0x1e: {  	s21 =	simm.s32 $0x0;
	[sflag:s11] =	ssyncadd.s32 $0xFFFFFFE0  }
.LBB2_15:
0x1f: {  	v12 =	vmov v10;
	s0 =	simm.s32 $0x0;
	v14 =	vimm.f32 $0.0e+00  }
.LBB2_28:
0x20: {  	v15 =	vsel vm0, $0xFFFFFFFF, v5  }
0x21: {  	v15 =	vxor.u32 v12, v15  }
0x22: {  	v15 =	vsub.f32 v15, v8  }
0x23: {  	(erf) = vpow2.f32 @p0 v13  }
0x24: {  	s0 =	sadd.s32 @p2 $0x10, s0;
	s1 =	simm.s32 $0x0;
	v62 =	vmul.f32 $1.442695020e+00, v15  }
0x25: {  	s1 =	smov.u32 @p2 s0  }
0x26: {  	v13 =	vor.u32 @p1 s1, v0;
	(erf) = vpow2.f32 v62;
	_ =	sdelay $0x1  }
0x27: {  	vm1 =	vge.u32 @p1 v16, v6;
	s0 =	sadd.s32 @p1 $0x10, s1;
	s1 =	simm.s32 $0x0;
	vm0 =	vlt.s32 @p1 v13, v7  }
0x28: {  	v10 =	vpsel p0, v11, v10;
	s1 =	smov.u32 @p1 s0;
	vm0 =	vmand @p1 vm0, vm1;
	v13 =	vpop @p1 (erf)  }
0x29: {  	v11 =	vor.u32 @p0 s1, v0;
	v13 =	vnsel @p1 vm0, $0x0, v13  }
0x2a: {  	vm1 =	vge.u32 @p0 v10, v6;
	s0 =	sadd.s32 @p0 $0x10, s1;
	vm0 =	vlt.s32 @p0 v11, v7;
	v13 =	vadd.f32 @p1 v13, v14  }
0x2b: {  	s22 =	smov.u32 @p0 s0;
	vm0 =	vmand @p0 vm0, vm1;
	v10 =	vpop @p0 (erf)  }
0x2c: {  	v63 =	vor.u32 s22, v0;
	v11 =	vpsel p1, v13, v9;
	v10 =	vnsel @p0 vm0, $0x0, v10  }
0x2d: {  	vm15 =	vge.u32 v12, v6;
	vm14 =	vlt.s32 v63, v7;
	v10 =	vadd.f32 @p0 v10, v11  }
0x2e: {  	vm0 =	vmand vm14, vm15;
	v7 =	vpop (erf)  }
0x2f: {  	v9 =	vpsel p0, v10, v9;
	v7 =	vnsel vm0, $0x0, v7  }
0x30: {  	v9 =	vadd.f32 v7, v9  }
.LBB2_29:
0x31: {  	s0 =	sand.u32 $0x10, s21  }
0x32: {  	v7 =	vld [tilespmem:s0+$0x1E700];
	_ =	sdelay $0x1  }
0x33: {  	(xrf2) =	vadd.scan.msk.f32 $0xffff, v9  }
0x34: {  	s29 =	sand.u32 $0xF, s21  }
0x35: {  	v59 =	vmov s29  }
0x36: {  	vm0 =	veq.s32 v59, v0;
	v7 =	vxor.u32 $0x80000000, v7  }
0x37: {  	v7 =	vnsel vm0, $0x7FFFFFFF, v7  }
0x38: {  	(xrf0) =	vmax.scan.msk.u32 $0xffff, v7;
	_ =	sdelay $0x4  }
0x39: {  	v7, _, _ =	vpop (xrf2)  }
0x3a: {  	(v2sf) =	vpush v7, $0xF;
	v7, _, _ =	vpop (xrf0)  }
0x3b: {  	(v2sf) =	vpush v7, $0xF;
	_ =	sdelay $0xd  }
0x3c: {  	s30 =	spop (v2sf)  }
0x3d: {  	s1 =	spop (v2sf)  }
0x3e: {  	s22 =	sand.u32 $0xFFFFFFF0, s1  }
0x3f: {  	s22 =	sxor.u32 $0x80000000, s22  }
0x40: {  	v7 =	vld [tilespmem:s22+$0x0];
	_ =	sdelay $0x4  }
0x41: {  	v60 =	vsub.f32 v7, v8;
	_ =	sdelay $0x1  }
0x42: {  	v9 =	vmul.f32 $1.442695020e+00, v60;
	_ =	sdelay $0x1  }
0x43: {  	(erf) = vpow2.f32 v9;
	_ =	sdelay $0x4  }
0x44: {  	vm14 =	vlt.s32 v7, $0x0;
	v61 =	vxor.u32 $0xFFFFFFFF, v7;
	v7 =	vxor.u32 $0x80000000, v7  }
0x45: {  	s1 =	sand.u32 $0xF, s1;
	v7 =	vsel vm14, v61, v7  }
0x46: {  	v62 =	vmov s1  }
0x47: {  	vm15 =	veq.s32 v62, v0;
	vm1 =	vlt.u32 v7, v6  }
0x48: {  	vm0 =	vmand vm1, vm15;
	v7 =	vpop (erf)  }
0x49: {  	v7 =	vnsel vm0, $0x0, v7  }
0x4a: {  	(xrf2) =	vadd.scan.msk.f32 $0xffff, v7;
	_ =	sdelay $0x9  }
0x4b: {  	v7, _, _ =	vpop (xrf2)  }
0x4c: {  	(v2sf) =	vpush v7, $0xF;
	_ =	sdelay $0xe  }
0x4d: {  	s31 =	spop (v2sf)  }
0x4e: {  	s0 =	sadd.f32 s31, s30  }
0x4f: {  	v7 =	vmov s21  }
0x50: {  	s21 =	sadd.s32 $0x1, s21;
	v63 =	vmov s0  }
0x51: {  	p0 =	sne.s32 s21, $0x20;
	v9 =	vadd.f32 $0.0e+00, v63  }
.Ltmp3:
0x52: {  	_ = 	snop;
	(pc) =	sbr.rel @!p0 .LBB2_30-.Ltmp3, $4  }
0x53: {  	v9 =	vbroadcast v9, $0x0  }
0x54: {  	[tilespmem:v7+s17+$0x0] =	vst.idx.msk $0x1, v6;
	v6 =	vadd.f32 $0.0e+00, v8  }
0x55: {  	[tilespmem:v7+s18+$0x0] =	vst.idx.msk $0x1, v9  }
0x56: {  	[tilespmem:v7+s19+$0x0] =	vst.idx.msk $0x1, v6  }
.LBB2_2:
0x57: {  	s0 =	sor.u32 s3, s21  }
0x58: {  	s0 =	sshrl.u32 s0, $0x3  }
0x59: {  	s22 =	sshll.u32 s21, $0x7;
	s0 =	smul.u32 $0xC3800, s0  }
0x5a: {  	s22 =	sand.u32 $0x380, s22  }
0x5b: {  	s0 =	sor.u32 s22, s0  }
0x5c: {  	s0 =	sshrl.u32 s0, $0x3  }
0x5d: {  	s22 =	simm.s32 $0x0;
	s0 =	sadd.s32 s4, s0  }
0x5e: {  	[tilespmem:s22], [sflag:$0x1] =	stream.strided.gather [hbm4b:s0+s12], $0x18700, s13, s12, $0x38;
	[tilespmem:$0x1E900] =	vst v63  }
0x5f: {  	_ =	swait.ge [sflag:s11], $0x18700  }
0x60: {  	[sflag:s11] =	ssyncset.done $0x0  }
0x61: {  	s23 =	simm.s32 $0x200;
	s0 =	simm.s32 $0x0;
	[sflag:s11] =	ssyncadd.s32 $0xFFFE7900  }
.LBB2_3:
0x62: {  	p0 =	sne.s32 s23, $0xFE00;
	[tilespmem:s0+$0x18770] =	vst v1  }
0x63: {  	[tilespmem:s0+$0x18700] =	vst v1  }
0x64: {  	[tilespmem:s0+$0x18710] =	vst v1  }
.Ltmp4:
0x65: {  	[tilespmem:s0+$0x18720] =	vst v1;
	(pc) =	sbr.rel @p0 .LBB2_3-.Ltmp4, $4  }
0x66: {  	[tilespmem:s0+$0x18730] =	vst v1  }
0x67: {  	[tilespmem:s0+$0x18740] =	vst v1  }
0x68: {  	[tilespmem:s0+$0x18750] =	vst v1  }
0x69: {  	[tilespmem:s0+$0x18760] =	vst v1;
	s0 =	sshra.s32 s23, $0x2;
	s23 =	sadd.s32 $0x200, s23  }
0x6a: {  	[tilespmem:s0+$0x18770] =	vst v1  }
0x6b: {  	[tilespmem:s0+$0x18700] =	vst v1  }
0x6c: {  	[tilespmem:s0+$0x18710] =	vst v1  }
0x6d: {  	[tilespmem:s0+$0x18720] =	vst v1  }
0x6e: {  	[tilespmem:s0+$0x18730] =	vst v1  }
0x6f: {  	[tilespmem:s0+$0x18740] =	vst v1  }
0x70: {  	[tilespmem:s0+$0x18750] =	vst v1  }
0x71: {  	[tilespmem:s0+$0x18760] =	vst v1;
	v6 =	vimm.f32 $-Inf;
	s23 =	simm.s32 $0x50  }
.LBB2_5:
0x72: {  	v7 =	vld [tilespmem:s23+$0xFFFFFFB0];
	_ =	sdelay $0x4  }
0x73: {  	vm0 =	vlt.s32 v7, $0x0;
	v8 =	vxor.u32 $0xFFFFFFFF, v7;
	v9 =	vxor.u32 $0x80000000, v7  }
0x74: {  	v8 =	vsel vm0, v8, v9  }
0x75: {  	v8 =	vshrl.u32 v8, $0x16  }
0x76: {  	v46 =	vand.u32 $0x380, v8  }
0x77: {  	v8 =	vand.u32 $0x7F, v8;
	v9 =	vor.u32 v2, v46  }
0x78: {  	v8 =	vor.u32 v8, v9;
	_ =	sdelay $0x4  }
0x79: {  	[tilespmem:v8+s14+$0x0] =	vst.idx.add.s32.msk $0xffff, v3  }
0x7a: {  	v8 =	vld [tilespmem:s23+$0xFFFFFFC0];
	_ =	sdelay $0x4  }
0x7b: {  	vm7 =	vlt.s32 v8, $0x0;
	v47 =	vxor.u32 $0xFFFFFFFF, v8;
	v10 =	vxor.u32 $0x80000000, v8  }
0x7c: {  	v9 =	vsel vm7, v47, v10  }
0x7d: {  	v9 =	vshrl.u32 v9, $0x16  }
0x7e: {  	v48 =	vand.u32 $0x380, v9  }
0x7f: {  	v9 =	vand.u32 $0x7F, v9;
	v10 =	vor.u32 v2, v48  }
0x80: {  	v9 =	vor.u32 v9, v10;
	_ =	sdelay $0x4  }
0x81: {  	[tilespmem:v9+s14+$0x0] =	vst.idx.add.s32.msk $0xffff, v3  }
0x82: {  	v9 =	vld [tilespmem:s23+$0xFFFFFFD0];
	_ =	sdelay $0x4  }
0x83: {  	vm8 =	vlt.s32 v9, $0x0;
	v49 =	vxor.u32 $0xFFFFFFFF, v9;
	v11 =	vxor.u32 $0x80000000, v9  }
0x84: {  	v10 =	vsel vm8, v49, v11  }
0x85: {  	v10 =	vshrl.u32 v10, $0x16  }
0x86: {  	v50 =	vand.u32 $0x380, v10  }
0x87: {  	v10 =	vand.u32 $0x7F, v10;
	v11 =	vor.u32 v2, v50  }
0x88: {  	v10 =	vor.u32 v10, v11;
	_ =	sdelay $0x4  }
0x89: {  	[tilespmem:v10+s14+$0x0] =	vst.idx.add.s32.msk $0xffff, v3  }
0x8a: {  	v10 =	vld [tilespmem:s23+$0xFFFFFFE0];
	_ =	sdelay $0x4  }
0x8b: {  	vm9 =	vlt.s32 v10, $0x0;
	v51 =	vxor.u32 $0xFFFFFFFF, v10;
	v12 =	vxor.u32 $0x80000000, v10  }
0x8c: {  	v11 =	vsel vm9, v51, v12  }
0x8d: {  	v11 =	vshrl.u32 v11, $0x16  }
0x8e: {  	v52 =	vand.u32 $0x380, v11  }
0x8f: {  	v11 =	vand.u32 $0x7F, v11;
	v12 =	vor.u32 v2, v52  }
0x90: {  	v11 =	vor.u32 v11, v12;
	_ =	sdelay $0x4  }
0x91: {  	[tilespmem:v11+s14+$0x0] =	vst.idx.add.s32.msk $0xffff, v3  }
0x92: {  	v11 =	vld [tilespmem:s23+$0xFFFFFFF0];
	_ =	sdelay $0x4  }
0x93: {  	vm10 =	vlt.s32 v11, $0x0;
	v53 =	vxor.u32 $0xFFFFFFFF, v11;
	v13 =	vxor.u32 $0x80000000, v11  }
0x94: {  	v12 =	vsel vm10, v53, v13  }
0x95: {  	v12 =	vshrl.u32 v12, $0x16  }
0x96: {  	v54 =	vand.u32 $0x380, v12  }
0x97: {  	v12 =	vand.u32 $0x7F, v12;
	v13 =	vor.u32 v2, v54  }
0x98: {  	v12 =	vor.u32 v12, v13;
	_ =	sdelay $0x4  }
0x99: {  	[tilespmem:v12+s14+$0x0] =	vst.idx.add.s32.msk $0xffff, v3  }
0x9a: {  	v12 =	vld [tilespmem:s23+$0x0];
	_ =	sdelay $0x4  }
0x9b: {  	vm11 =	vlt.s32 v12, $0x0;
	v55 =	vxor.u32 $0xFFFFFFFF, v12;
	v14 =	vxor.u32 $0x80000000, v12  }
0x9c: {  	v13 =	vsel vm11, v55, v14  }
0x9d: {  	v13 =	vshrl.u32 v13, $0x16  }
0x9e: {  	v56 =	vand.u32 $0x380, v13  }
0x9f: {  	v13 =	vand.u32 $0x7F, v13;
	v14 =	vor.u32 v2, v56  }
0xa0: {  	v13 =	vor.u32 v13, v14;
	_ =	sdelay $0x4  }
0xa1: {  	[tilespmem:v13+s14+$0x0] =	vst.idx.add.s32.msk $0xffff, v3  }
0xa2: {  	v13 =	vld [tilespmem:s23+$0x10];
	_ =	sdelay $0x4  }
0xa3: {  	vm12 =	vlt.s32 v13, $0x0;
	v57 =	vxor.u32 $0xFFFFFFFF, v13;
	v15 =	vxor.u32 $0x80000000, v13  }
0xa4: {  	v14 =	vsel vm12, v57, v15  }
0xa5: {  	v14 =	vshrl.u32 v14, $0x16  }
0xa6: {  	v58 =	vand.u32 $0x380, v14  }
0xa7: {  	v14 =	vand.u32 $0x7F, v14;
	v15 =	vor.u32 v2, v58  }
0xa8: {  	v14 =	vor.u32 v14, v15;
	_ =	sdelay $0x4  }
0xa9: {  	[tilespmem:v14+s14+$0x0] =	vst.idx.add.s32.msk $0xffff, v3  }
0xaa: {  	v14 =	vld [tilespmem:s23+$0x20];
	_ =	sdelay $0x4  }
0xab: {  	vm13 =	vlt.s32 v14, $0x0;
	v59 =	vxor.u32 $0xFFFFFFFF, v14;
	v16 =	vxor.u32 $0x80000000, v14  }
0xac: {  	v15 =	vsel vm13, v59, v16  }
0xad: {  	v15 =	vshrl.u32 v15, $0x16  }
0xae: {  	v60 =	vand.u32 $0x380, v15  }
0xaf: {  	v15 =	vand.u32 $0x7F, v15;
	v16 =	vor.u32 v2, v60  }
0xb0: {  	v15 =	vor.u32 v15, v16;
	_ =	sdelay $0x4  }
0xb1: {  	s0 =	sand.u32 $0x3FFE0, s22;
	[tilespmem:v15+s14+$0x0] =	vst.idx.add.s32.msk $0xffff, v3  }
0xb2: {  	v15 =	vld [tilespmem:s0+$0x80];
	_ =	sdelay $0x4  }
0xb3: {  	vm14 =	vlt.s32 v15, $0x0;
	v61 =	vxor.u32 $0xFFFFFFFF, v15;
	v17 =	vxor.u32 $0x80000000, v15  }
0xb4: {  	v16 =	vsel vm14, v61, v17  }
0xb5: {  	v16 =	vshrl.u32 v16, $0x16  }
0xb6: {  	v62 =	vand.u32 $0x380, v16  }
0xb7: {  	v16 =	vand.u32 $0x7F, v16;
	v17 =	vor.u32 v2, v62  }
0xb8: {  	v16 =	vor.u32 v16, v17;
	_ =	sdelay $0x4  }
0xb9: {  	[tilespmem:v16+s14+$0x0] =	vst.idx.add.s32.msk $0xffff, v3  }
0xba: {  	v16 =	vld [tilespmem:s23+$0x40];
	_ =	sdelay $0x4  }
0xbb: {  	vm15 =	vlt.s32 v16, $0x0;
	v63 =	vxor.u32 $0xFFFFFFFF, v16;
	v18 =	vxor.u32 $0x80000000, v16  }
0xbc: {  	v6 =	vmax.f32 v6, v7;
	v7 =	vsel vm15, v63, v18  }
0xbd: {  	v6 =	vmax.f32 v6, v8;
	v7 =	vshrl.u32 v7, $0x16  }
0xbe: {  	v6 =	vmax.f32 v6, v9;
	v8 =	vand.u32 $0x380, v7  }
0xbf: {  	v6 =	vmax.f32 v6, v10;
	v7 =	vand.u32 $0x7F, v7;
	v8 =	vor.u32 v2, v8  }
0xc0: {  	p0 =	sne.s32 s22, $0x18600;
	v6 =	vmax.f32 v6, v11;
	v7 =	vor.u32 v7, v8  }
.Ltmp5:
0xc1: {  	v6 =	vmax.f32 v6, v12;
	(pc) =	sbr.rel @p0 .LBB2_5-.Ltmp5, $4  }
0xc2: {  	v6 =	vmax.f32 v6, v13  }
0xc3: {  	v6 =	vmax.f32 v6, v14  }
0xc4: {  	v6 =	vmax.f32 v6, v15  }
0xc5: {  	s22 =	sadd.s32 $0xA0, s22;
	s23 =	sadd.s32 $0xA0, s23;
	v6 =	vmax.f32 v6, v16;
	[tilespmem:v7+s14+$0x0] =	vst.idx.add.s32.msk $0xffff, v3  }
0xc6: {  	s0 =	simm.s32 $0x1AAF0  }
0xc7: {  	v7 =	vld [tilespmem:s0+$0xFFFFE000]  }
0xc8: {  	v8 =	vld [tilespmem:s0+$0xFFFFE400]  }
0xc9: {  	v9 =	vld [tilespmem:s0+$0xFFFFE800]  }
0xca: {  	v10 =	vld [tilespmem:s0+$0xFFFFEC00]  }
0xcb: {  	v11 =	vld [tilespmem:s0+$0xFFFFF000]  }
0xcc: {  	s23 =	simm.s32 $0x1AAE0;
	v12 =	vld [tilespmem:s0+$0xFFFFF400]  }
0xcd: {  	v13 =	vld [tilespmem:s23+$0xFFFFE000]  }
0xce: {  	v7 =	vadd.s32 v7, v8;
	v8 =	vld [tilespmem:s0+$0xFFFFF800]  }
0xcf: {  	v7 =	vadd.s32 v9, v7;
	v9 =	vld [tilespmem:s0+$0xFFFFFC00]  }
0xd0: {  	v7 =	vadd.s32 v10, v7;
	v10 =	vld [tilespmem:s0+$0x0]  }
0xd1: {  	v7 =	vadd.s32 v11, v7;
	v11 =	vld [tilespmem:s0+$0x400]  }
0xd2: {  	v7 =	vadd.s32 v12, v7;
	v12 =	vld [tilespmem:s0+$0x800]  }
0xd3: {  	v7 =	vadd.s32 v8, v7;
	v8 =	vld [tilespmem:s0+$0xC00]  }
0xd4: {  	v7 =	vadd.s32 v9, v7;
	v9 =	vld [tilespmem:s0+$0x1000]  }
0xd5: {  	v7 =	vadd.s32 v10, v7;
	v10 =	vld [tilespmem:s0+$0x1400]  }
0xd6: {  	v7 =	vadd.s32 v11, v7;
	v11 =	vld [tilespmem:s0+$0x1800]  }
0xd7: {  	v7 =	vadd.s32 v12, v7;
	v12 =	vld [tilespmem:s0+$0x1C00]  }
0xd8: {  	v7 =	vadd.s32 v8, v7;
	v8 =	vld [tilespmem:s23+$0xFFFFE400]  }
0xd9: {  	v7 =	vadd.s32 v9, v7;
	v9 =	vld [tilespmem:s23+$0xFFFFE800]  }
0xda: {  	v7 =	vadd.s32 v10, v7;
	v10 =	vld [tilespmem:s23+$0xFFFFEC00]  }
0xdb: {  	v7 =	vadd.s32 v11, v7;
	v11 =	vld [tilespmem:s23+$0xFFFFF000]  }
0xdc: {  	v12 =	vadd.s32 v12, v7;
	v7 =	vld [tilespmem:s23+$0xFFFFF400]  }
0xdd: {  	(xrf0) =	vadd.scan.msk.s32 $0xffff, v12;
	v8 =	vadd.s32 v13, v8;
	v13 =	vld [tilespmem:s23+$0xFFFFF800]  }
0xde: {  	v8 =	vadd.s32 v9, v8;
	v9 =	vld [tilespmem:s23+$0xFFFFFC00]  }
0xdf: {  	v8 =	vadd.s32 v10, v8;
	v10 =	vld [tilespmem:s23+$0x0]  }
0xe0: {  	v8 =	vadd.s32 v11, v8;
	v11 =	vld [tilespmem:s23+$0x400]  }
0xe1: {  	v7 =	vadd.s32 v7, v8;
	v8 =	vld [tilespmem:s23+$0x800]  }
0xe2: {  	v7 =	vadd.s32 v13, v7;
	v13 =	vld [tilespmem:s23+$0xC00]  }
0xe3: {  	v14, _, _ =	vpop (xrf0);
	v7 =	vadd.s32 v9, v7;
	v9 =	vld [tilespmem:s23+$0x1000]  }
0xe4: {  	v15 =	vxor.u32 $0x80000000, v14;
	v7 =	vadd.s32 v10, v7;
	v10 =	vld [tilespmem:s23+$0x1400]  }
0xe5: {  	(xrf0) =	vmax.scan.msk.u32 $0xffff, v15;
	v7 =	vadd.s32 v11, v7;
	v11 =	vld [tilespmem:s23+$0x1800]  }
0xe6: {  	v7 =	vadd.s32 v8, v7;
	v8 =	vld [tilespmem:s23+$0x1C00]  }
0xe7: {  	s24 =	simm.s32 $0x1AAD0;
	v7 =	vadd.s32 v13, v7  }
0xe8: {  	v16 =	vld [tilespmem:s24+$0xFFFFF000];
	v7 =	vadd.s32 v9, v7  }
0xe9: {  	v18 =	vld [tilespmem:s24+$0x0];
	v7 =	vadd.s32 v10, v7  }
0xea: {  	v15 =	vld [tilespmem:s24+$0xFFFFE000];
	v7 =	vadd.s32 v11, v7  }
0xeb: {  	v13 =	vld [tilespmem:s24+$0xFFFFE400];
	v11, _, _ =	vpop (xrf0);
	v17 =	vadd.s32 v8, v7  }
0xec: {  	v9 =	vld [tilespmem:s24+$0xFFFFE800];
	(v2sf) =	vpush v11, $0xF;
	(xrf0) =	vadd.scan.msk.s32 $0xffff, v17  }
0xed: {  	v10 =	vld [tilespmem:s24+$0xFFFFEC00]  }
0xee: {  	v7 =	vld [tilespmem:s24+$0xFFFFF400]  }
0xef: {  	v8 =	vld [tilespmem:s24+$0xFFFFF800]  }
0xf0: {  	v11 =	vld [tilespmem:s24+$0xFFFFFC00]  }
0xf1: {  	v13 =	vadd.s32 v15, v13;
	v15 =	vld [tilespmem:s24+$0x400]  }
0xf2: {  	v9 =	vadd.s32 v9, v13;
	v13 =	vld [tilespmem:s24+$0x800];
	v19, _, _ =	vpop (xrf0)  }
0xf3: {  	v9 =	vadd.s32 v10, v9;
	v10 =	vld [tilespmem:s24+$0xC00];
	v20 =	vxor.u32 $0x80000000, v19  }
0xf4: {  	v9 =	vadd.s32 v16, v9;
	v16 =	vld [tilespmem:s24+$0x1000];
	(xrf0) =	vmax.scan.msk.u32 $0xffff, v20  }
0xf5: {  	v7 =	vadd.s32 v7, v9;
	v9 =	vld [tilespmem:s24+$0x1400]  }
0xf6: {  	v7 =	vadd.s32 v8, v7;
	v8 =	vld [tilespmem:s24+$0x1800]  }
0xf7: {  	s25 =	simm.s32 $0x1AAC0;
	v7 =	vadd.s32 v11, v7;
	v11 =	vld [tilespmem:s24+$0x1C00]  }
0xf8: {  	v7 =	vadd.s32 v18, v7;
	v18 =	vld [tilespmem:s25+$0xFFFFE000]  }
0xf9: {  	v7 =	vadd.s32 v15, v7;
	v15 =	vld [tilespmem:s25+$0xFFFFE400]  }
0xfa: {  	v7 =	vadd.s32 v13, v7;
	v13 =	vld [tilespmem:s25+$0xFFFFE800];
	v20, _, _ =	vpop (xrf0)  }
0xfb: {  	v7 =	vadd.s32 v10, v7;
	v10 =	vld [tilespmem:s25+$0xFFFFEC00];
	s22 =	spop (v2sf);
	(v2sf) =	vpush v20, $0xF  }
0xfc: {  	v7 =	vadd.s32 v16, v7;
	v16 =	vld [tilespmem:s25+$0xFFFFF000];
	s22 =	sxor.u32 $0x80000000, s22  }
0xfd: {  	s23 =	simm.s32 $0x0;
	v7 =	vadd.s32 v9, v7;
	v9 =	vld [tilespmem:s25+$0xFFFFF400];
	v14 =	vsub.s32 s22, v14  }
0xfe: {  	v7 =	vadd.s32 v8, v7;
	v8 =	vld [tilespmem:s25+$0xFFFFF800];
	v14 =	vadd.s32 s23, v14  }
0xff: {  	v15 =	vadd.s32 v18, v15;
	v18 =	vld [tilespmem:s25+$0x0];
	v12 =	vadd.s32 v12, v14  }
0x100: {  	v7 =	vadd.s32 v11, v7;
	v11 =	vld [tilespmem:s25+$0xFFFFFC00];
	vm1 =	vgt.s32 v12, $0x7F;
	v12 =	vadd.s32 v13, v15  }
0x101: {  	v13 =	vld [tilespmem:s25+$0x400];
	v10 =	vadd.s32 v10, v12  }
0x102: {  	s26 =	simm.s32 $0x3F0;
	vm0 =	vlt.s32 v14, $0x80;
	v15 =	vld [tilespmem:s25+$0xC00];
	v10 =	vadd.s32 v16, v10  }
0x103: {  	v14 =	vor.u32 s26, v4;
	vm0 =	vmand vm0, vm1;
	v12 =	vld [tilespmem:s25+$0x800];
	v9 =	vadd.s32 v9, v10  }
0x104: {  	(xrf0) =	vadd.scan.msk.s32 $0xffff, v7;
	v14 =	vnsel vm0, $0x7FFFFFFF, v14;
	v16 =	vld [tilespmem:s25+$0x1C00];
	v8 =	vadd.s32 v8, v9  }
0x105: {  	(xrf0) =	vmax.scan.msk.u32 $0xffff, v14;
	v10 =	vld [tilespmem:s25+$0x1000];
	v8 =	vadd.s32 v11, v8  }
0x106: {  	v14 =	vld [tilespmem:s25+$0x1400];
	v8 =	vadd.s32 v18, v8  }
0x107: {  	s0 =	simm.s32 $0x1AAB0;
	v11 =	vld [tilespmem:s25+$0x1800];
	v8 =	vadd.s32 v13, v8  }
0x108: {  	v13 =	vld [tilespmem:s0+$0xFFFFE000];
	v8 =	vadd.s32 v12, v8  }
0x109: {  	v12 =	vld [tilespmem:s0+$0xFFFFE400];
	v8 =	vadd.s32 v15, v8  }
0x10a: {  	v9, _, _ =	vpop (xrf0);
	v15 =	vld [tilespmem:s0+$0xFFFFE800];
	v8 =	vadd.s32 v10, v8;
	s1 =	spop (v2sf)  }
0x10b: {  	v18, _, _ =	vpop (xrf0);
	v10 =	vld [tilespmem:s0+$0xFFFFEC00];
	v8 =	vadd.s32 v14, v8;
	s25 =	sxor.u32 $0x80000000, s1  }
0x10c: {  	s26 =	sadd.s32 $0x0, s22;
	(v2sf) =	vpush v18, $0xF;
	v14 =	vld [tilespmem:s0+$0xFFFFF000];
	v8 =	vadd.s32 v11, v8;
	v18 =	vsub.s32 s25, v19  }
0x10d: {  	v11 =	vld [tilespmem:s0+$0xFFFFF400];
	v8 =	vadd.s32 v16, v8;
	v16 =	vadd.s32 s26, v18;
	v18 =	vxor.u32 $0x80000000, v9  }
0x10e: {  	v12 =	vadd.s32 v13, v12;
	v13 =	vld [tilespmem:s0+$0xFFFFF800];
	(xrf0) =	vmax.scan.msk.u32 $0xffff, v18  }
0x10f: {  	v12 =	vadd.s32 v15, v12;
	v15 =	vld [tilespmem:s0+$0xFFFFFC00]  }
0x110: {  	v10 =	vadd.s32 v10, v12  }
0x111: {  	v10 =	vadd.s32 v14, v10  }
0x112: {  	v10 =	vadd.s32 v11, v10  }
0x113: {  	v10 =	vadd.s32 v13, v10  }
0x114: {  	v12 =	vld [tilespmem:s0+$0x0];
	v10 =	vadd.s32 v15, v10;
	v15, _, _ =	vpop (xrf0)  }
0x115: {  	(v2sf) =	vpush v15, $0xF  }
0x116: {  	(xrf0) =	vadd.scan.msk.s32 $0xffff, v8  }
0x117: {  	v17 =	vadd.s32 v17, v16;
	v14 =	vld [tilespmem:s0+$0x400]  }
0x118: {  	s24 =	simm.s32 $0x3E0;
	vm14 =	vlt.s32 v16, $0x80;
	vm15 =	vgt.s32 v17, $0x7F;
	v11 =	vld [tilespmem:s0+$0x800]  }
0x119: {  	v16 =	vor.u32 s24, v4;
	v17 =	vld [tilespmem:s0+$0xC00];
	vm0 =	vmand vm14, vm15;
	v10 =	vadd.s32 v12, v10  }
0x11a: {  	v16 =	vnsel vm0, $0x7FFFFFFF, v16  }
0x11b: {  	(xrf0) =	vmax.scan.msk.u32 $0xffff, v16  }
0x11c: {  	v16 =	vld [tilespmem:s0+$0x1000];
	v14 =	vadd.s32 v14, v10;
	v10, _, _ =	vpop (xrf0)  }
0x11d: {  	v13 =	vld [tilespmem:s0+$0x1400];
	v14 =	vadd.s32 v11, v14;
	v18 =	vxor.u32 $0x80000000, v10  }
0x11e: {  	s30 =	simm.s32 $0x1AAA0;
	v12 =	vld [tilespmem:s0+$0x1800];
	v17 =	vadd.s32 v17, v14;
	(xrf0) =	vmax.scan.msk.u32 $0xffff, v18  }
0x11f: {  	s29 =	simm.s32 $0x3D0;
	v15 =	vld [tilespmem:s30+$0xFFFFE400]  }
0x120: {  	s28 =	simm.s32 $0x3C0;
	s23 =	simm.s32 $0x3B0;
	s1 =	simm.s32 $0xFFFFFFFF;
	v11 =	vld [tilespmem:s0+$0x1C00]  }
0x121: {  	s24 =	simm.s32 $0x3A0;
	s0 =	simm.s32 $0x390;
	v14 =	vld [tilespmem:s30+$0xFFFFE000];
	v16 =	vadd.s32 v16, v17;
	s31 =	spop (v2sf);
	v17, _, _ =	vpop (xrf0)  }
.LBB2_7:
0x122: {  	s22 =	smov.u32 s1  }
0x123: {  	p0 =	sne.s32 s0, $0x0;
	v19 =	vadd.s32 v13, v16;
	s1 =	sxor.u32 $0x80000000, s31;
	v18 =	vld [tilespmem:s30+$0xFFFFE800];
	(v2sf) =	vpush v17, $0xF  }
0x124: {  	v12 =	vadd.s32 v12, v19;
	p1 =	sgt.s32 s22, s1;
	v16 =	vld [tilespmem:s30+$0xFFFFEC00];
	v13, _, _ =	vpop (xrf0);
	s31 =	spop (v2sf)  }
0x125: {  	v11 =	vadd.s32 v11, v12;
	s1 =	smov.u32 @p1 s22;
	v17 =	vld [tilespmem:s30+$0xFFFFF000];
	(v2sf) =	vpush v13, $0xF;
	s31 =	sxor.u32 $0x80000000, s31  }
0x126: {  	s26 =	sadd.s32 s26, s25;
	v12 =	vld [tilespmem:s30+$0xFFFFF400];
	(xrf0) =	vadd.scan.msk.s32 $0xffff, v11;
	v13 =	vsub.s32 s31, v9;
	v9 =	vmov v10;
	s25 =	smov.u32 s31  }
0x127: {  	v10 =	vadd.s32 v14, v15;
	v14 =	vld [tilespmem:s30+$0xFFFFF800];
	v13 =	vadd.s32 s26, v13  }
0x128: {  	v10 =	vadd.s32 v18, v10;
	v15 =	vld [tilespmem:s30+$0xFFFFFC00];
	v18 =	vadd.s32 v7, v13;
	v7 =	vmovc v8;
	v8 =	vmov v11  }
0x129: {  	vm0 =	vlt.s32 v13, $0x80;
	v10 =	vadd.s32 v16, v10;
	v11 =	vld [tilespmem:s30+$0x0];
	vm1 =	vgt.s32 v18, $0x7F  }
0x12a: {  	v13 =	vor.u32 s29, v4;
	s29 =	smov.u32 s28;
	s28 =	smov.u32 s23;
	s23 =	smov.u32 s24;
	v20 =	vadd.s32 v17, v10;
	v16 =	vld [tilespmem:s30+$0x400];
	vm0 =	vmand vm0, vm1  }
0x12b: {  	s24 =	smov.u32 s0;
	v19 =	vadd.s32 v12, v20;
	v17 =	vld [tilespmem:s30+$0x800];
	v12 =	vnsel vm0, $0x7FFFFFFF, v13  }
0x12c: {  	v13 =	vadd.s32 v14, v19;
	v18 =	vld [tilespmem:s30+$0xC00];
	v10, _, _ =	vpop (xrf0);
	(xrf0) =	vmax.scan.msk.u32 $0xffff, v12  }
0x12d: {  	v12 =	vadd.s32 v15, v13;
	v19 =	vld [tilespmem:s30+$0x1000];
	v14 =	vxor.u32 $0x80000000, v10  }
.Ltmp6:
0x12e: {  	v11 =	vadd.s32 v11, v12;
	v13 =	vld [tilespmem:s30+$0x1400];
	(xrf0) =	vmax.scan.msk.u32 $0xffff, v14;
	(pc) =	sbr.rel @p0 .LBB2_7-.Ltmp6, $4  }
0x12f: {  	v11 =	vadd.s32 v16, v11;
	v12 =	vld [tilespmem:s30+$0x1800]  }
0x130: {  	v15 =	vadd.s32 v17, v11;
	v11 =	vld [tilespmem:s30+$0x1C00];
	s30 =	sadd.s32 $0xFFFFFFF0, s30  }
0x131: {  	v14 =	vld [tilespmem:s30+$0xFFFFE000];
	v16 =	vadd.s32 v18, v15  }
0x132: {  	s0 =	sadd.s32 $0xFFFFFFF0, s0;
	v15 =	vld [tilespmem:s30+$0xFFFFE400];
	v16 =	vadd.s32 v19, v16;
	v17, _, _ =	vpop (xrf0);
	s31 =	spop (v2sf)  }
0x133: {  	v18 =	vld [tilespmem:s30+$0xFFFFE800]  }
0x134: {  	v19 =	vld [tilespmem:s30+$0xFFFFEC00];
	(v2sf) =	vpush v17, $0xF;
	v48, _, _ =	vpop (xrf0)  }
0x135: {  	v20 =	vld [tilespmem:s30+$0xFFFFF000];
	(v2sf) =	vpush v48, $0xF  }
0x136: {  	v49 =	vld [tilespmem:s30+$0xFFFFF400]  }
0x137: {  	v50 =	vld [tilespmem:s30+$0xFFFFF800];
	v14 =	vadd.s32 v14, v15  }
0x138: {  	v51 =	vld [tilespmem:s30+$0xFFFFFC00];
	v14 =	vadd.s32 v18, v14  }
0x139: {  	v52 =	vld [tilespmem:s30+$0x0];
	v14 =	vadd.s32 v19, v14  }
0x13a: {  	v13 =	vadd.s32 v13, v16;
	v53 =	vld [tilespmem:s30+$0x400];
	v14 =	vadd.s32 v20, v14  }
0x13b: {  	v55 =	vld [tilespmem:s30+$0x800];
	v12 =	vadd.s32 v12, v13;
	v54 =	vadd.s32 v49, v14  }
0x13c: {  	v57 =	vld [tilespmem:s30+$0xC00];
	s0 =	spop (v2sf);
	v11 =	vadd.s32 v11, v12;
	v56 =	vadd.s32 v50, v54  }
0x13d: {  	v58 =	vld [tilespmem:s30+$0x1000];
	s0 =	sxor.u32 $0x80000000, s0;
	(xrf0) =	vadd.scan.msk.s32 $0xffff, v11;
	v12 =	vadd.s32 v51, v56  }
0x13e: {  	s22 =	sadd.s32 s26, s25;
	v59 =	vld [tilespmem:s30+$0x1400];
	v9 =	vsub.s32 s0, v9;
	v12 =	vadd.s32 v52, v12  }
0x13f: {  	v60 =	vld [tilespmem:s30+$0x1800];
	v9 =	vadd.s32 s22, v9;
	v12 =	vadd.s32 v53, v12  }
0x140: {  	v61 =	vld [tilespmem:s30+$0x1C00];
	v7 =	vadd.s32 v7, v9;
	v12 =	vadd.s32 v55, v12  }
0x141: {  	vm0 =	vlt.s32 v9, $0x80;
	vm1 =	vgt.s32 v7, $0x7F;
	v7 =	vadd.s32 v57, v12  }
0x142: {  	v9 =	vor.u32 s29, v4;
	vm0 =	vmand vm0, vm1;
	v7 =	vadd.s32 v58, v7  }
0x143: {  	v9 =	vnsel vm0, $0x7FFFFFFF, v9;
	v62, _, _ =	vpop (xrf0);
	s25 =	spop (v2sf);
	v7 =	vadd.s32 v59, v7  }
0x144: {  	(xrf0) =	vmax.scan.msk.u32 $0xffff, v9;
	v9 =	vxor.u32 $0x80000000, v62;
	v7 =	vadd.s32 v60, v7;
	s30 =	spop (v2sf)  }
0x145: {  	(xrf0) =	vmax.scan.msk.u32 $0xffff, v9;
	v7 =	vadd.s32 v61, v7;
	s26 =	sxor.u32 $0x80000000, s30  }
0x146: {  	s0 =	sadd.s32 s22, s0;
	(xrf0) =	vadd.scan.msk.s32 $0xffff, v7;
	v9 =	vsub.s32 s26, v10  }
0x147: {  	v9 =	vadd.s32 s0, v9  }
0x148: {  	v8 =	vadd.s32 v8, v9;
	_ =	sdelay $0x1  }
0x149: {  	v10, _, _ =	vpop (xrf0);
	vm10 =	vlt.s32 v9, $0x80;
	vm11 =	vgt.s32 v8, $0x7F  }
0x14a: {  	v9 =	vor.u32 s28, v4;
	vm0 =	vmand vm10, vm11;
	v8, _, _ =	vpop (xrf0)  }
0x14b: {  	v9 =	vnsel vm0, $0x7FFFFFFF, v9;
	v63, _, _ =	vpop (xrf0)  }
0x14c: {  	(xrf0) =	vmax.scan.msk.u32 $0xffff, v9;
	v9 =	vxor.u32 $0x80000000, v63  }
0x14d: {  	(xrf0) =	vmax.scan.msk.u32 $0xffff, v9;
	_ =	sdelay $0x3  }
0x14e: {  	(v2sf) =	vpush v10, $0xF  }
0x14f: {  	(v2sf) =	vpush v8, $0xF;
	v8, _, _ =	vpop (xrf0)  }
0x150: {  	(v2sf) =	vpush v8, $0xF;
	v8, _, _ =	vpop (xrf0)  }
0x151: {  	(v2sf) =	vpush v8, $0xF;
	_ =	sdelay $0xb  }
0x152: {  	s22 =	spop (v2sf)  }
0x153: {  	s29 =	spop (v2sf)  }
0x154: {  	s28 =	sxor.u32 $0x80000000, s29;
	s29 =	spop (v2sf)  }
0x155: {  	s0 =	sadd.s32 s0, s26;
	v8 =	vsub.s32 s28, v62;
	s30 =	spop (v2sf)  }
0x156: {  	v8 =	vadd.s32 s0, v8;
	s26 =	sxor.u32 $0x80000000, s30  }
0x157: {  	s0 =	sadd.s32 s0, s28;
	v9 =	vadd.s32 v11, v8;
	v10 =	vsub.s32 s26, v63  }
0x158: {  	vm12 =	vlt.s32 v8, $0x80;
	vm13 =	vgt.s32 v9, $0x7F;
	v8 =	vadd.s32 s0, v10  }
0x159: {  	v9 =	vor.u32 s23, v4;
	vm0 =	vmand vm12, vm13;
	v7 =	vadd.s32 v7, v8  }
0x15a: {  	v9 =	vnsel vm0, $0x7FFFFFFF, v9;
	vm14 =	vlt.s32 v8, $0x80;
	vm15 =	vgt.s32 v7, $0x7F  }
0x15b: {  	(xrf0) =	vmax.scan.msk.u32 $0xffff, v9;
	v7 =	vor.u32 s24, v4;
	vm0 =	vmand vm14, vm15  }
0x15c: {  	v7 =	vnsel vm0, $0x7FFFFFFF, v7  }
0x15d: {  	(xrf0) =	vmax.scan.msk.u32 $0xffff, v7;
	_ =	sdelay $0x3  }
0x15e: {  	v7, _, _ =	vpop (xrf0)  }
0x15f: {  	(v2sf) =	vpush v7, $0xF  }
0x160: {  	v7, _, _ =	vpop (xrf0)  }
0x161: {  	(v2sf) =	vpush v7, $0xF;
	_ =	sdelay $0x5  }
0x162: {  	s0 =	sxor.u32 $0x80000000, s31  }
0x163: {  	p0 =	sgt.s32 s1, s0  }
0x164: {  	s0 =	smov.u32 @p0 s1;
	s1 =	sxor.u32 $0x80000000, s25  }
0x165: {  	p0 =	sgt.s32 s0, s1  }
0x166: {  	s1 =	smov.u32 @p0 s0;
	s0 =	sxor.u32 $0x80000000, s22  }
0x167: {  	p0 =	sgt.s32 s1, s0  }
0x168: {  	s0 =	smov.u32 @p0 s1;
	s1 =	sxor.u32 $0x80000000, s29  }
0x169: {  	p0 =	sgt.s32 s0, s1;
	s30 =	spop (v2sf)  }
0x16a: {  	s1 =	smov.u32 @p0 s0;
	s0 =	sxor.u32 $0x80000000, s30  }
0x16b: {  	p0 =	sgt.s32 s1, s0;
	s31 =	spop (v2sf)  }
0x16c: {  	s0 =	smov.u32 @p0 s1;
	s1 =	sxor.u32 $0x80000000, s31  }
0x16d: {  	p0 =	sgt.s32 s0, s1  }
0x16e: {  	s1 =	smov.u32 @p0 s0  }
0x16f: {  	s22 =	sshll.u32 s1, $0x16  }
0x170: {  	s23 =	simm.s32 $0x0;
	v8 =	vimm.s32 $0x0;
	s24 =	simm.s32 $0x50;
	v7 =	vmov s22  }
.LBB2_9:
0x171: {  	v9 =	vld [tilespmem:s24+$0xFFFFFFB0];
	_ =	sdelay $0x4  }
0x172: {  	v10 =	vshra.s32 v9, $0x1F  }
0x173: {  	v10 =	vor.u32 $0x80000000, v10  }
0x174: {  	v9 =	vxor.u32 v9, v10  }
0x175: {  	vm0 =	vge.u32 v9, v7  }
0x176: {  	v10 =	vsel vm0, $0x1, v1  }
0x177: {  	(xrf0) =	vadd.scan.msk.s32 $0xffff, v10;
	_ =	sdelay $0x5  }
0x178: {  	v10, _, _ =	vpop (xrf0)  }
0x179: {  	v10 =	vadd.s32 v10, v8  }
0x17a: {  	v10 =	vadd.s32 $0xFFFFFFFF, v10  }
0x17b: {  	vm1 =	vlt.s32 v10, $0x1FFF  }
0x17c: {  	v10 =	vnsel vm1, $0x1FFF, v10;
	_ =	sdelay $0x4  }
0x17d: {  	[tilespmem:v10+s15+$0x0] =	vst.idx.msk vm0, v9  }
0x17e: {  	v9 =	vld [tilespmem:s24+$0xFFFFFFC0];
	_ =	sdelay $0x4  }
0x17f: {  	v10 =	vshra.s32 v9, $0x1F  }
0x180: {  	v10 =	vor.u32 $0x80000000, v10  }
0x181: {  	v9 =	vxor.u32 v9, v10  }
0x182: {  	vm10 =	vge.u32 v9, v7  }
0x183: {  	v10 =	vsel vm10, $0x1, v1  }
0x184: {  	(xrf0) =	vadd.scan.msk.s32 $0xffff, v10;
	_ =	sdelay $0x1  }
0x185: {  	v10 =	vmpcnt.ones.xlane vm0;
	_ =	sdelay $0x3  }
0x186: {  	v8 =	vadd.s32 v8, v10;
	v10, _, _ =	vpop (xrf0)  }
0x187: {  	v10 =	vadd.s32 v10, v8  }
0x188: {  	v10 =	vadd.s32 $0xFFFFFFFF, v10  }
0x189: {  	vm11 =	vlt.s32 v10, $0x1FFF  }
0x18a: {  	v10 =	vnsel vm11, $0x1FFF, v10;
	_ =	sdelay $0x4  }
0x18b: {  	[tilespmem:v10+s15+$0x0] =	vst.idx.msk vm10, v9  }
0x18c: {  	v9 =	vld [tilespmem:s24+$0xFFFFFFD0];
	_ =	sdelay $0x4  }
0x18d: {  	v10 =	vshra.s32 v9, $0x1F  }
0x18e: {  	v10 =	vor.u32 $0x80000000, v10  }
0x18f: {  	v9 =	vxor.u32 v9, v10  }
0x190: {  	vm12 =	vge.u32 v9, v7  }
0x191: {  	v10 =	vsel vm12, $0x1, v1  }
0x192: {  	(xrf0) =	vadd.scan.msk.s32 $0xffff, v10;
	_ =	sdelay $0x1  }
0x193: {  	v10 =	vmpcnt.ones.xlane vm10;
	_ =	sdelay $0x3  }
0x194: {  	v8 =	vadd.s32 v8, v10;
	v10, _, _ =	vpop (xrf0)  }
0x195: {  	v10 =	vadd.s32 v10, v8  }
0x196: {  	v10 =	vadd.s32 $0xFFFFFFFF, v10  }
0x197: {  	vm13 =	vlt.s32 v10, $0x1FFF  }
0x198: {  	v10 =	vnsel vm13, $0x1FFF, v10;
	_ =	sdelay $0x4  }
0x199: {  	[tilespmem:v10+s15+$0x0] =	vst.idx.msk vm12, v9  }
0x19a: {  	v9 =	vld [tilespmem:s24+$0xFFFFFFE0];
	_ =	sdelay $0x4  }
0x19b: {  	v10 =	vshra.s32 v9, $0x1F  }
0x19c: {  	v10 =	vor.u32 $0x80000000, v10  }
0x19d: {  	v9 =	vxor.u32 v9, v10  }
0x19e: {  	vm14 =	vge.u32 v9, v7  }
0x19f: {  	v10 =	vsel vm14, $0x1, v1  }
0x1a0: {  	(xrf0) =	vadd.scan.msk.s32 $0xffff, v10;
	_ =	sdelay $0x1  }
0x1a1: {  	v10 =	vmpcnt.ones.xlane vm12;
	_ =	sdelay $0x3  }
0x1a2: {  	v8 =	vadd.s32 v8, v10;
	v10, _, _ =	vpop (xrf0)  }
0x1a3: {  	v10 =	vadd.s32 v10, v8  }
0x1a4: {  	v10 =	vadd.s32 $0xFFFFFFFF, v10  }
0x1a5: {  	vm15 =	vlt.s32 v10, $0x1FFF  }
0x1a6: {  	v10 =	vnsel vm15, $0x1FFF, v10;
	_ =	sdelay $0x4  }
0x1a7: {  	[tilespmem:v10+s15+$0x0] =	vst.idx.msk vm14, v9  }
0x1a8: {  	v9 =	vld [tilespmem:s24+$0xFFFFFFF0];
	_ =	sdelay $0x4  }
0x1a9: {  	v10 =	vshra.s32 v9, $0x1F  }
0x1aa: {  	v10 =	vor.u32 $0x80000000, v10  }
0x1ab: {  	v9 =	vxor.u32 v9, v10  }
0x1ac: {  	vm4 =	vge.u32 v9, v7  }
0x1ad: {  	v10 =	vsel vm4, $0x1, v1  }
0x1ae: {  	(xrf0) =	vadd.scan.msk.s32 $0xffff, v10;
	_ =	sdelay $0x1  }
0x1af: {  	v10 =	vmpcnt.ones.xlane vm14;
	_ =	sdelay $0x3  }
0x1b0: {  	v8 =	vadd.s32 v8, v10;
	v10, _, _ =	vpop (xrf0)  }
0x1b1: {  	v10 =	vadd.s32 v10, v8  }
0x1b2: {  	v10 =	vadd.s32 $0xFFFFFFFF, v10  }
0x1b3: {  	vm5 =	vlt.s32 v10, $0x1FFF  }
0x1b4: {  	v10 =	vnsel vm5, $0x1FFF, v10;
	_ =	sdelay $0x4  }
0x1b5: {  	[tilespmem:v10+s15+$0x0] =	vst.idx.msk vm4, v9  }
0x1b6: {  	v9 =	vld [tilespmem:s24+$0x0];
	_ =	sdelay $0x4  }
0x1b7: {  	v10 =	vshra.s32 v9, $0x1F  }
0x1b8: {  	v10 =	vor.u32 $0x80000000, v10  }
0x1b9: {  	v9 =	vxor.u32 v9, v10  }
0x1ba: {  	vm6 =	vge.u32 v9, v7  }
0x1bb: {  	v10 =	vsel vm6, $0x1, v1  }
0x1bc: {  	(xrf0) =	vadd.scan.msk.s32 $0xffff, v10;
	_ =	sdelay $0x1  }
0x1bd: {  	v10 =	vmpcnt.ones.xlane vm4;
	_ =	sdelay $0x3  }
0x1be: {  	v8 =	vadd.s32 v8, v10;
	v10, _, _ =	vpop (xrf0)  }
0x1bf: {  	v10 =	vadd.s32 v10, v8  }
0x1c0: {  	v10 =	vadd.s32 $0xFFFFFFFF, v10  }
0x1c1: {  	vm7 =	vlt.s32 v10, $0x1FFF  }
0x1c2: {  	v10 =	vnsel vm7, $0x1FFF, v10;
	_ =	sdelay $0x4  }
0x1c3: {  	[tilespmem:v10+s15+$0x0] =	vst.idx.msk vm6, v9  }
0x1c4: {  	v9 =	vld [tilespmem:s24+$0x10];
	_ =	sdelay $0x4  }
0x1c5: {  	v10 =	vshra.s32 v9, $0x1F  }
0x1c6: {  	v10 =	vor.u32 $0x80000000, v10  }
0x1c7: {  	v9 =	vxor.u32 v9, v10  }
0x1c8: {  	vm8 =	vge.u32 v9, v7  }
0x1c9: {  	v10 =	vsel vm8, $0x1, v1  }
0x1ca: {  	(xrf0) =	vadd.scan.msk.s32 $0xffff, v10;
	_ =	sdelay $0x1  }
0x1cb: {  	v10 =	vmpcnt.ones.xlane vm6;
	_ =	sdelay $0x3  }
0x1cc: {  	v8 =	vadd.s32 v8, v10;
	v10, _, _ =	vpop (xrf0)  }
0x1cd: {  	v10 =	vadd.s32 v10, v8  }
0x1ce: {  	v10 =	vadd.s32 $0xFFFFFFFF, v10  }
0x1cf: {  	vm9 =	vlt.s32 v10, $0x1FFF  }
0x1d0: {  	v10 =	vnsel vm9, $0x1FFF, v10;
	_ =	sdelay $0x4  }
0x1d1: {  	[tilespmem:v10+s15+$0x0] =	vst.idx.msk vm8, v9  }
0x1d2: {  	v9 =	vld [tilespmem:s24+$0x20];
	_ =	sdelay $0x4  }
0x1d3: {  	v10 =	vshra.s32 v9, $0x1F  }
0x1d4: {  	v10 =	vor.u32 $0x80000000, v10  }
0x1d5: {  	v9 =	vxor.u32 v9, v10  }
0x1d6: {  	vm10 =	vge.u32 v9, v7  }
0x1d7: {  	v10 =	vsel vm10, $0x1, v1  }
0x1d8: {  	(xrf0) =	vadd.scan.msk.s32 $0xffff, v10;
	_ =	sdelay $0x1  }
0x1d9: {  	v10 =	vmpcnt.ones.xlane vm8;
	_ =	sdelay $0x3  }
0x1da: {  	v8 =	vadd.s32 v8, v10;
	v10, _, _ =	vpop (xrf0)  }
0x1db: {  	v10 =	vadd.s32 v10, v8  }
0x1dc: {  	v10 =	vadd.s32 $0xFFFFFFFF, v10  }
0x1dd: {  	vm11 =	vlt.s32 v10, $0x1FFF  }
0x1de: {  	v10 =	vnsel vm11, $0x1FFF, v10;
	_ =	sdelay $0x4  }
0x1df: {  	s0 =	sand.u32 $0x3FFE0, s23;
	[tilespmem:v10+s15+$0x0] =	vst.idx.msk vm10, v9  }
0x1e0: {  	v9 =	vld [tilespmem:s0+$0x80];
	_ =	sdelay $0x4  }
0x1e1: {  	v10 =	vshra.s32 v9, $0x1F  }
0x1e2: {  	v10 =	vor.u32 $0x80000000, v10  }
0x1e3: {  	v9 =	vxor.u32 v9, v10  }
0x1e4: {  	vm12 =	vge.u32 v9, v7  }
0x1e5: {  	v10 =	vsel vm12, $0x1, v1  }
0x1e6: {  	(xrf0) =	vadd.scan.msk.s32 $0xffff, v10;
	_ =	sdelay $0x1  }
0x1e7: {  	v10 =	vmpcnt.ones.xlane vm10;
	_ =	sdelay $0x3  }
0x1e8: {  	v8 =	vadd.s32 v8, v10;
	v10, _, _ =	vpop (xrf0)  }
0x1e9: {  	v10 =	vadd.s32 v10, v8  }
0x1ea: {  	v10 =	vadd.s32 $0xFFFFFFFF, v10  }
0x1eb: {  	vm13 =	vlt.s32 v10, $0x1FFF  }
0x1ec: {  	v10 =	vnsel vm13, $0x1FFF, v10;
	_ =	sdelay $0x4  }
0x1ed: {  	[tilespmem:v10+s15+$0x0] =	vst.idx.msk vm12, v9  }
0x1ee: {  	v9 =	vld [tilespmem:s24+$0x40];
	_ =	sdelay $0x4  }
0x1ef: {  	v10 =	vshra.s32 v9, $0x1F  }
0x1f0: {  	v10 =	vor.u32 $0x80000000, v10  }
0x1f1: {  	v9 =	vxor.u32 v9, v10  }
0x1f2: {  	vm14 =	vge.u32 v9, v7  }
0x1f3: {  	v10 =	vsel vm14, $0x1, v1  }
0x1f4: {  	(xrf0) =	vadd.scan.msk.s32 $0xffff, v10;
	_ =	sdelay $0x1  }
0x1f5: {  	v10 =	vmpcnt.ones.xlane vm12;
	_ =	sdelay $0x3  }
0x1f6: {  	v8 =	vadd.s32 v8, v10;
	v10, _, _ =	vpop (xrf0)  }
0x1f7: {  	v10 =	vadd.s32 v10, v8  }
0x1f8: {  	v10 =	vadd.s32 $0xFFFFFFFF, v10  }
0x1f9: {  	vm15 =	vlt.s32 v10, $0x1FFF  }
0x1fa: {  	p0 =	sne.s32 s23, $0x18600;
	v10 =	vnsel vm15, $0x1FFF, v10  }
.Ltmp7:
0x1fb: {  	_ = 	snop;
	(pc) =	sbr.rel @p0 .LBB2_9-.Ltmp7, $3  }
0x1fc: {  	_ = 	snop  }
0x1fd: {  	v11 =	vmpcnt.ones.xlane vm14;
	_ =	sdelay $0x1  }
0x1fe: {  	s23 =	sadd.s32 $0xA0, s23;
	s24 =	sadd.s32 $0xA0, s24;
	v8 =	vadd.s32 v8, v11;
	[tilespmem:v10+s15+$0x0] =	vst.idx.msk vm14, v9  }
0x1ff: {  	v7 =	vxor.u32 $0x80000000, v8  }
0x200: {  	(xrf0) =	vmax.scan.msk.u32 $0xffff, v7;
	_ =	sdelay $0x5  }
0x201: {  	v7, _, _ =	vpop (xrf0)  }
0x202: {  	(v2sf) =	vpush v7, $0xF;
	_ =	sdelay $0xe  }
0x203: {  	s0 =	spop (v2sf)  }
0x204: {  	s1 =	sxor.u32 $0x80000000, s0  }
0x205: {  	p0 =	slt.s32 s1, $0x2000  }
0x206: {  	p1 =	slt.s32 s1, $0xFFFFFFF2;
	s1 =	simm.s32 @!p0 $0x2000  }
0x207: {  	s30 =	sadd.s32 $0xF, s1  }
0x208: {  	s23 =	sand.u32 $0xF, s30  }
0x209: {  	s31 =	sshra.s32 s30, $0x1F;
	p6 =	sne.s32 s23, $0x0  }
.Ltmp8:
0x20a: {  	s23 =	sshrl.u32 s31, $0x1C;
	p0 =	por !p1, !p6;
	(pc) =	sbr.rel .LBB2_11-.Ltmp8, $4  }
0x20b: {  	s0 =	sadd.s32 s23, s30;
	s23 =	simm.s32 $0x1;
	p0 =	por !p0, !p0  }
0x20c: {  	s0 =	sshra.s32 s0, $0x4;
	s23 =	simm.s32 @!p0 $0x0  }
0x20d: {  	s0 =	ssub.s32 s0, s23  }
0x20e: {  	v7 =	vmov s1;
	s23 =	simm.s32 $0x0;
	p0 =	slt.s32 s0, $0x1  }
.LBB2_12:
0x20f: {  	v8 =	vimm.s32 $0x0  }
.LBB2_19:
0x210: {  	(xrf0) =	vadd.scan.msk.s32 $0xffff, v8;
	_ =	sdelay $0x5  }
0x211: {  	v8, _, _ =	vpop (xrf0)  }
0x212: {  	(v2sf) =	vpush v8, $0xF;
	_ =	sdelay $0xa  }
0x213: {  	s23 =	sadd.s32 $0x1, s23  }
0x214: {  	p2 =	seq.s32 s23, $0x16  }
.Ltmp9:
0x215: {  	_ = 	snop;
	(pc) =	sbr.rel @p2 .LBB2_13-.Ltmp9, $4  }
0x216: {  	_ = 	snop  }
0x217: {  	s1 =	spop (v2sf)  }
0x218: {  	p1 =	sgt.s32 s1, $0x7F  }
0x219: {  	s22 =	smov.u32 @p1 s24  }
.LBB2_11:
.Ltmp10:
0x21a: {  	(pc) =	sbr.rel @p0 .LBB2_12-.Ltmp10, $3  }
0x21b: {  	_ =	sdelay $0x1  }
0x21c: {  	s1 =	sshrl.u32 s16, s23  }
0x21d: {  	s24 =	sor.u32 s1, s22  }
0x21e: {  	s1 =	simm.s32 $0x1C700  }
0x21f: {  	p1 =	sne.s32 s0, $0x1;
	v10 =	vld [tilespmem:s1+$0x0]  }
.Ltmp11:
0x220: {  	_ = 	snop;
	(pc) =	sbr.rel @!p1 .LBB2_18-.Ltmp11, $4  }
0x221: {  	_ = 	snop  }
0x222: {  	s25 =	simm.s32 $0x0  }
0x223: {  	v9 =	vmov s24;
	v11 =	vor.u32 s25, v0  }
0x224: {  	v8 =	vimm.s32 $0x0;
	s26 =	sadd.s32 $0xFFFFFFFF, s0;
	s28 =	simm.s32 $0x1C710;
	vm0 =	vlt.s32 v11, v7;
	vm1 =	vge.u32 v10, v9  }
.LBB2_17:
0x225: {  	v10 =	vld [tilespmem:s28+$0x0];
	p1 =	sne.s32 s26, $0x1;
	s26 =	sadd.s32 $0xFFFFFFFF, s26;
	vm0 =	vmand vm0, vm1  }
.Ltmp12:
0x226: {  	v11 =	vsel vm0, $0x1, v1;
	(pc) =	sbr.rel @p1 .LBB2_17-.Ltmp12, $4  }
0x227: {  	v8 =	vadd.s32 v11, v8  }
0x228: {  	s25 =	sadd.s32 $0x10, s25  }
0x229: {  	v11 =	vor.u32 s25, v0  }
0x22a: {  	s28 =	sadd.s32 $0x10, s28;
	vm0 =	vlt.s32 v11, v7;
	vm1 =	vge.u32 v10, v9  }
.LBB2_18:
.Ltmp13:
0x22b: {  	(pc) =	sbr.rel .LBB2_19-.Ltmp13, $4  }
0x22c: {  	_ = 	snop  }
0x22d: {  	vm0 =	vmand vm0, vm1  }
0x22e: {  	v9 =	vsel vm0, $0x1, v1  }
0x22f: {  	v8 =	vadd.s32 v9, v8  }
.LBB2_13:
0x230: {  	(xrf0) =	vmax.scan.msk.f32 $0xffff, v6;
	_ =	sdelay $0x1  }
0x231: {  	p0 =	sgt.s32 s0, $0x0  }
.Ltmp14:
0x232: {  	_ = 	snop;
	(pc) =	sbr.rel @!p0 .LBB2_29-.Ltmp14, $3  }
0x233: {  	_ =	sdelay $0x1  }
0x234: {  	v8, _, _ =	vpop (xrf0)  }
0x235: {  	v6 =	vmov s22;
	v9 =	vimm.f32 $0.0e+00;
	v8 =	vbroadcast v8, $0xF  }
0x236: {  	s23 =	simm.s32 $0x1C700  }
0x237: {  	p3 =	sne.s32 s0, $0x1;
	v10 =	vld [tilespmem:s23+$0x0]  }
.Ltmp15:
0x238: {  	_ = 	snop;
	(pc) =	sbr.rel @!p3 .LBB2_15-.Ltmp15, $3  }
0x239: {  	_ =	sdelay $0x1  }
0x23a: {  	s22 =	simm.s32 $0x0;
	s0 =	sadd.s32 $0xFFFFFFFF, s0;
	p0 =	por $0x0, $0x0  }
0x23b: {  	p1 =	por $0x0, $0x0;
	p2 =	por $0x0, $0x0;
	s23 =	simm.s32 $0x1C710;
	vm0 =	vgt.s32 v10, $0xFFFFFFFF  }
0x23c: {  	v11 =	vld [tilespmem:s23+$0x0];
	p3 =	sne.s32 s0, $0x1  }
.Ltmp16:
0x23d: {  	v12 =	vsel vm0, $0xFFFFFFFF, v5;
	(pc) =	sbr.rel @!p3 .LBB2_21-.Ltmp16, $3  }
0x23e: {  	v12 =	vxor.u32 v10, v12  }
0x23f: {  	v12 =	vsub.f32 v12, v8;
	_ =	sdelay $0x1  }
0x240: {  	s0 =	sadd.s32 $0xFFFFFFFF, s0;
	s23 =	simm.s32 $0x1C720;
	p0 =	por $0x1, $0x1;
	v13 =	vmul.f32 $1.442695020e+00, v12;
	vm0 =	vgt.s32 v11, $0xFFFFFFFF  }
0x241: {  	v15 =	vld [tilespmem:s23+$0x0];
	p3 =	sne.s32 s0, $0x1  }
.Ltmp17:
0x242: {  	v12 =	vsel vm0, $0xFFFFFFFF, v5;
	(pc) =	sbr.rel @!p3 .LBB2_23-.Ltmp17, $3  }
0x243: {  	v12 =	vxor.u32 v11, v12  }
0x244: {  	v12 =	vsub.f32 v12, v8;
	_ =	sdelay $0x1  }
0x245: {  	s0 =	sadd.s32 $0xFFFFFFFF, s0;
	s23 =	simm.s32 $0x1C730;
	p1 =	por $0x1, $0x1;
	(erf) = vpow2.f32 v13;
	v13 =	vmul.f32 $1.442695020e+00, v12;
	vm0 =	vgt.s32 v15, $0xFFFFFFFF  }
0x246: {  	_ =	sdelay $0x4  }
0x247: {  	v16 =	vor.u32 s22, v0;
	_ =	sdelay $0x2  }
0x248: {  	v12 =	vld [tilespmem:s23+$0x0];
	v14 =	vsel vm0, $0xFFFFFFFF, v5;
	p3 =	sne.s32 s0, $0x1;
	vm0 =	vlt.s32 v16, v7;
	v16 =	vpop (erf);
	(erf) = vpow2.f32 v13  }
.Ltmp18:
0x249: {  	v14 =	vxor.u32 v15, v14;
	(pc) =	sbr.rel @!p3 .LBB2_25-.Ltmp18, $4  }
0x24a: {  	vm1 =	vge.u32 v10, v6;
	v14 =	vsub.f32 v14, v8  }
0x24b: {  	vm0 =	vmand vm0, vm1  }
0x24c: {  	s23 =	sadd.s32 $0xFFFFFFFF, s0;
	v13 =	vmul.f32 $1.442695020e+00, v14;
	v16 =	vnsel vm0, $0x0, v16  }
0x24d: {  	s24 =	simm.s32 $0x1C740;
	p2 =	por $0x1, $0x1;
	s0 =	simm.s32 $0x0;
	vm0 =	vgt.s32 v12, $0xFFFFFFFF;
	v14 =	vadd.f32 v16, v9  }
.LBB2_26:
0x24e: {  	v16 =	vld [tilespmem:s24+$0x0];
	p3 =	sne.s32 s23, $0x1;
	s23 =	sadd.s32 $0xFFFFFFFF, s23;
	v17 =	vsel vm0, $0xFFFFFFFF, v5;
	(erf) = vpow2.f32 v13;
	s0 =	sadd.s32 $0x10, s0  }
.Ltmp19:
0x24f: {  	v13 =	vxor.u32 v12, v17;
	v18 =	vor.u32 s0, v0;
	(pc) =	sbr.rel @p3 .LBB2_26-.Ltmp19, $4  }
0x250: {  	vm1 =	vge.u32 v11, v6;
	v11 =	vmovc v15;
	v13 =	vsub.f32 v13, v8;
	vm0 =	vlt.s32 v18, v7  }
0x251: {  	v15 =	vmov v12;
	vm0 =	vmand vm0, vm1;
	v17 =	vpop (erf)  }
0x252: {  	v13 =	vmul.f32 $1.442695020e+00, v13;
	v17 =	vnsel vm0, $0x0, v17  }
0x253: {  	s24 =	sadd.s32 $0x10, s24;
	vm0 =	vgt.s32 v16, $0xFFFFFFFF;
	v14 =	vadd.f32 v17, v14;
	v12 =	vmov v16  }
.Ltmp20:
0x254: {  	(pc) =	sbr.rel .LBB2_28-.Ltmp20, $2  }
0x255: {  	_ =	sdelay $0x2  }
0x256: {  	v16 =	vmov v11;
	v11 =	vmov v15  }
.LBB2_21:
.Ltmp21:
0x257: {  	(pc) =	sbr.rel .LBB2_28-.Ltmp21, $2  }
0x258: {  	_ =	sdelay $0x2  }
0x259: {  	v12 =	vmov v11;
	v11 =	vmov v10;
	s0 =	simm.s32 $0x0;
	v14 =	vimm.f32 $0.0e+00  }
.LBB2_23:
.Ltmp22:
0x25a: {  	(pc) =	sbr.rel .LBB2_28-.Ltmp22, $2  }
0x25b: {  	_ =	sdelay $0x2  }
0x25c: {  	s0 =	simm.s32 $0x0;
	v12 =	vmov v15;
	v16 =	vmov v10;
	v14 =	vimm.f32 $0.0e+00  }
.LBB2_25:
.Ltmp23:
0x25d: {  	(pc) =	sbr.rel .LBB2_28-.Ltmp23, $2  }
0x25e: {  	_ =	sdelay $0x2  }
0x25f: {  	v16 =	vmov v11;
	s0 =	simm.s32 $0x0;
	v11 =	vmov v15  }
.LBB2_31:
0x260: {  	_ =	sfence.sel $0x180000  }
0x261: {  	[bflag:$0x0] =	sbarrier.arrive $0xFFFF  }
0x262: {  	_ =	strace $0x90000047  }
0x263: {  	s0 =	stileid.u32;
	[bflag:$0x2] =	sbarrier.arrive $0xFFFF  }
0x264: {  	p0 =	sne.s32 s0, $0x0;
	s0 =	rddreg [dreg:$0x3]  }
0x265: {  	s0 =	sadd.s32 @!p0 $0x100000, s0  }
0x266: {  	[sflag:s0] =	ssyncadd.tile.s32 @!p0 $0x1;
	_ =	shalt  }
.Lfunc_end2:
_tile_overlayer_lowered:
.L_overlay_start_2:
0x267: {  	(tag) =	ssettag $0x2  }
0x268: {  	s0 =	rddreg [dreg:$0x0];
	s2 =	stileid.u32  }
0x269: {  	s1 =	rddreg [dreg:$0x1];
	p0 =	sne.s32 s2, $0x0  }
0x26a: {  	s3 =	rddreg [dreg:$0x2];
	[bflag:$0x3] =	sbarrier.arrive $0xFFFF;
	s2 =	simm.s32 @!p0 $0x1C01  }
0x26b: {  	[timem:s3], [sflag:s2] =	dma.local @!p0 [hbm:s0], s1  }
0x26c: {  	s0 =	simm.s32 @!p0 $0x1  }
0x26d: {  	_ =	swait.ge @!p0 [sflag:s0], s1  }
0x26e: {  	s1 =	ssub.s32 @!p0 $0x0, s1;
	[sflag:s0] =	ssyncset.done @!p0 $0x0  }
0x26f: {  	[sflag:s0] =	ssyncadd.s32 @!p0 s1  }
0x270: {  	[bflag:$0x3] =	sbarrier.arrive $0xFFFF  }
0x271: {  	_ =	shalt  }

</sc_bundles>
